<compile_context>
chip_gen: v7x
topology: tpu7x:2x2x1
jax: 0.10.2.dev20260603
libtpu: 0.0.44.dev20260713+nightly
codegen_flags: <defaults>
</compile_context>

<pallas_src>
import jax
import jax.numpy as jnp
from jax import lax
from jax.experimental import pallas as pl
from jax.experimental.pallas import tpu as pltpu
from jax.experimental.pallas import tpu_sc as plsc

KB = 100
KBP = 128
CC = 25
CCP = 32
TOPK = 10
NEG = -1e9

_NW = 32
_CH = 128


def _sc_gather_body(wn_table, nell_table, wn_idx, nell_idx, wn_out, nell_out,
                    idx_v, rows_v, gsem, wsem):
    wid = lax.axis_index("s") * 2 + lax.axis_index("c")
    n_rows = wn_idx.shape[0] // _NW
    nch = n_rows // _CH
    base = pl.multiple_of(wid * n_rows, n_rows)

    pltpu.sync_copy(wn_idx.at[pl.ds(base, n_rows)], idx_v.at[pl.ds(0, n_rows)])
    pltpu.sync_copy(nell_idx.at[pl.ds(base, n_rows)],
                    idx_v.at[pl.ds(n_rows, n_rows)])

    def chunk(table, out, idx_off, off, buf, drain_prev):
        if drain_prev:
            pltpu.make_async_copy(rows_v.at[buf], out.at[pl.ds(0, _CH)],
                                  wsem).wait()
        pltpu.async_copy(table.at[idx_v.at[pl.ds(idx_off, _CH)]],
                         rows_v.at[buf], gsem).wait()
        pltpu.async_copy(rows_v.at[buf], out.at[pl.ds(base + off, _CH)], wsem)

    chunk(wn_table, wn_out, 0, 0, 0, False)
    chunk(nell_table, nell_out, n_rows, 0, 1, False)

    def body(j, carry):
        off = pl.multiple_of(j * _CH, _CH)
        chunk(wn_table, wn_out, off, off, 0, True)
        chunk(nell_table, nell_out, n_rows + off, off, 1, True)
        return carry

    lax.fori_loop(1, nch, body, 0, unroll=False)
    pltpu.make_async_copy(rows_v.at[0], wn_out.at[pl.ds(0, _CH)], wsem).wait()
    pltpu.make_async_copy(rows_v.at[1], wn_out.at[pl.ds(0, _CH)], wsem).wait()


def _sc_gather(wn_table, nell_table, wn_idx, nell_idx):
    n = wn_idx.size
    n_rows = n // _NW
    mesh = plsc.VectorSubcoreMesh(core_axis_name="c", subcore_axis_name="s")
    f = pl.kernel(
        _sc_gather_body,
        out_type=[
            jax.ShapeDtypeStruct((n, KBP), jnp.float32),
            jax.ShapeDtypeStruct((n, KBP), jnp.float32),
        ],
        mesh=mesh,
        scratch_types=[
            pltpu.VMEM((2 * n_rows,), jnp.int32),
            pltpu.VMEM((2, _CH, KBP), jnp.float32),
            pltpu.SemaphoreType.DMA,
            pltpu.SemaphoreType.DMA,
        ],
    )
    return f(wn_table, nell_table, wn_idx.reshape(n), nell_idx.reshape(n))


def _pad_body(x_ref, o_ref):
    x = x_ref[...]
    o_ref[...] = jnp.concatenate(
        [x, jnp.zeros((x.shape[0], KBP - KB), jnp.float32)], axis=1)


def _pad_table(table, rows_per_block):
    v = table.shape[0]
    grid = (v // rows_per_block,)
    return pl.pallas_call(
        _pad_body,
        grid=grid,
        in_specs=[pl.BlockSpec((rows_per_block, KB), lambda i: (i, 0))],
        out_specs=pl.BlockSpec((rows_per_block, KBP), lambda i: (i, 0)),
        out_shape=jax.ShapeDtypeStruct((v, KBP), jnp.float32),
    )(table)


def _dense_body(slot_ref, intent_ref, wn_cv_ref, nell_cv_ref, wn_idx_ref,
                nell_idx_ref, km_r_ref, km_c_ref, wk_ref, wc_ref, gamma_ref,
                beta_ref, pe_ref, know_ref, ctx_ref):
    D = slot_ref.shape[-1]
    slot = slot_ref[0]
    intent = intent_ref[0]
    wk = wk_ref[...]
    wc = wc_ref[...]
    q = (jnp.dot(slot, wk[:D], preferred_element_type=jnp.float32)
         + jnp.dot(intent, wk[D:], preferred_element_type=jnp.float32))
    q2 = (jnp.dot(slot, wc[:D], preferred_element_type=jnp.float32)
          + jnp.dot(intent, wc[D:], preferred_element_type=jnp.float32))

    wn_cv = wn_cv_ref[0]
    nell_cv = nell_cv_ref[0]
    s_wn = jnp.sum(q[:, None, :] * wn_cv, axis=-1)
    s_nell = jnp.sum(q[:, None, :] * nell_cv, axis=-1)
    scores = jnp.concatenate([s_wn, s_nell], axis=1)
    idx = jnp.concatenate([wn_idx_ref[0], nell_idx_ref[0]], axis=1)
    scores = jnp.where(idx == 0, NEG, scores)

    S = scores.shape[0]
    rem = scores
    thresh = jnp.full((S, 1), NEG, jnp.float32)
    taken = jnp.zeros((S, 1), jnp.int32)
    done = jnp.zeros((S, 1), jnp.bool_)
    for _ in range(TOPK):
        m = jnp.max(rem, axis=1, keepdims=True)
        c = jnp.sum((rem == m).astype(jnp.int32), axis=1, keepdims=True)
        new_taken = taken + c
        thresh = jnp.where(done, thresh, m)
        rem = jnp.where(jnp.logical_and(jnp.logical_not(done), rem == m),
                        -jnp.inf, rem)
        taken = jnp.where(done, taken, new_taken)
        done = jnp.logical_or(done, new_taken >= TOPK)

    masked = jnp.where(scores < thresh, NEG, scores)
    mx = jnp.max(masked, axis=1, keepdims=True)
    e = jnp.exp(masked - mx)
    attn = e / jnp.sum(e, axis=1, keepdims=True)

    know = (jnp.sum(attn[:, :CCP, None] * wn_cv, axis=1)
            + jnp.sum(attn[:, CCP:, None] * nell_cv, axis=1))

    km_c = km_c_ref[0]
    pe = pe_ref[...]
    know = know + jnp.where(km_c == 0, 0.0, pe)

    km_r = km_r_ref[0]
    s2 = lax.dot_general(q2, know, (((1,), (1,)), ((), ())),
                         preferred_element_type=jnp.float32)
    s2 = jnp.where(km_r == 0, NEG, s2)
    mx2 = jnp.max(s2, axis=1, keepdims=True)
    e2 = jnp.exp(s2 - mx2)
    a2 = e2 / jnp.sum(e2, axis=1, keepdims=True)
    ctx = jnp.dot(a2, know, preferred_element_type=jnp.float32)

    ctx = ctx[:, :KB]
    mu = jnp.mean(ctx, axis=1, keepdims=True)
    var = jnp.mean((ctx - mu) ** 2, axis=1, keepdims=True)
    ctx = gamma_ref[...] * (ctx - mu) * lax.rsqrt(var + 1e-5) + beta_ref[...]

    know_ref[0] = know[:, :KB]
    ctx_ref[0] = ctx


def _dense(slot, intent, wn_cv, nell_cv, wn_idx, nell_idx, km, wk, wc,
           gamma, beta, pe):
    B, S, D = slot.shape
    km_r = km.reshape(B, 1, S)
    km_c = km.reshape(B, S, 1)
    bspec = lambda shp: pl.BlockSpec((1,) + shp, lambda b: (b,) + (0,) * len(shp))
    full = lambda shp: pl.BlockSpec(shp, lambda b: (0,) * len(shp))
    return pl.pallas_call(
        _dense_body,
        grid=(B,),
        in_specs=[
            bspec((S, D)), bspec((S, D)),
            bspec((S, CCP, KBP)), bspec((S, CCP, KBP)),
            bspec((S, CCP)), bspec((S, CCP)),
            bspec((1, S)), bspec((S, 1)),
            full((2 * D, KBP)), full((2 * D, KBP)),
            full((1, KB)), full((1, KB)), full((S, KBP)),
        ],
        out_specs=[bspec((S, KB)), bspec((S, KB))],
        out_shape=[
            jax.ShapeDtypeStruct((B, S, KB), jnp.float32),
            jax.ShapeDtypeStruct((B, S, KB), jnp.float32),
        ],
    )(slot, intent, wn_cv, nell_cv, wn_idx, nell_idx, km_r, km_c, wk, wc,
      gamma.reshape(1, KB), beta.reshape(1, KB), pe)


def kernel(intent_features, slot_features, attention_mask, wn_synset_indexes,
           wn_synset_lengths, nell_entity_indexes, nell_entity_lengths,
           wn_table, nell_table, W_k, W_c, gamma, beta, pos_embed):
    B, S, D = slot_features.shape
    padf = ((0, 0), (0, KBP - KB))
    wn_t = _pad_table(wn_table, 2000)
    nell_t = _pad_table(nell_table, 2000)
    padc = ((0, 0), (0, 0), (0, CCP - CC))
    wn_idx = jnp.pad(wn_synset_indexes.astype(jnp.int32), padc)
    nell_idx = jnp.pad(nell_entity_indexes.astype(jnp.int32), padc)
    wn_cv, nell_cv = _sc_gather(wn_t, nell_t, wn_idx, nell_idx)
    wn_cv = wn_cv.reshape(B, S, CCP, KBP)
    nell_cv = nell_cv.reshape(B, S, CCP, KBP)
    km = (wn_synset_lengths + nell_entity_lengths).astype(jnp.int32)
    know, ctx = _dense(slot_features, intent_features, wn_cv, nell_cv,
                       wn_idx, nell_idx, km,
                       jnp.pad(W_k, padf), jnp.pad(W_c, padf),
                       gamma, beta, jnp.pad(pos_embed, padf))
    return (know, ctx)

# --- scband reference (transcript-rebuilt; emitter-appended) ---
"""Pipeline reference for scband-knowledge-integrator-33011118637185 (READ-ONLY COPY).

The authoritative reference and input builder live on the scoring server;
editing this copy changes nothing except your own understanding.
"""

import jax, jax.numpy as jnp
import numpy as np

KB_DIM = 100
B, S, D = 64, 64, 768
CC = 25
TOPK = 10
WN_V = 40000
NELL_V = 280000


def _pos_embed(embed_dim, max_seq_len):
    pe = np.array([[pos / np.power(10000, 2.0 * (i // 2) / embed_dim) for i in range(embed_dim)]
                   for pos in range(max_seq_len)])
    pe[:, 0::2] = np.sin(pe[:, 0::2])
    pe[:, 1::2] = np.cos(pe[:, 1::2])
    return jnp.asarray(pe, dtype=jnp.float32)


def setup_inputs(seed: int = 0) -> dict:
    key = jax.random.key(seed)
    ks = jax.random.split(key, 12)
    intent_features = jax.random.normal(ks[0], (B, S, D), dtype=jnp.float32)
    slot_features = jax.random.normal(ks[1], (B, S, D), dtype=jnp.float32)
    attention_mask = jax.random.randint(ks[2], (B, S), 0, 2)
    wn_synset_indexes = jax.random.randint(ks[3], (B, S, CC), 0, WN_V)
    wn_synset_lengths = jax.random.randint(ks[4], (B, S), 0, CC + 1)
    nell_entity_indexes = jax.random.randint(ks[5], (B, S, CC), 0, NELL_V)
    nell_entity_lengths = jax.random.randint(ks[6], (B, S), 0, CC + 1)
    wn_table = (jax.random.normal(ks[7], (WN_V, KB_DIM), dtype=jnp.float32) * 0.1).at[0].set(0.0)
    nell_table = (jax.random.normal(ks[8], (NELL_V, KB_DIM), dtype=jnp.float32) * 0.1).at[0].set(0.0)
    W_k = jax.random.normal(ks[9], (2 * D, KB_DIM), dtype=jnp.float32) * 0.02
    W_c = jax.random.normal(ks[10], (2 * D, KB_DIM), dtype=jnp.float32) * 0.02
    gamma = jnp.ones((KB_DIM,), dtype=jnp.float32)
    beta = jnp.zeros((KB_DIM,), dtype=jnp.float32)
    pos_embed = _pos_embed(KB_DIM, S)
    return {
        'intent_features': intent_features,
        'slot_features': slot_features,
        'attention_mask': attention_mask,
        'wn_synset_indexes': wn_synset_indexes,
        'wn_synset_lengths': wn_synset_lengths,
        'nell_entity_indexes': nell_entity_indexes,
        'nell_entity_lengths': nell_entity_lengths,
        'wn_table': wn_table,
        'nell_table': nell_table,
        'W_k': W_k,
        'W_c': W_c,
        'gamma': gamma,
        'beta': beta,
        'pos_embed': pos_embed,
    }


def reference(intent_features, slot_features, attention_mask,
              wn_synset_indexes, wn_synset_lengths,
              nell_entity_indexes, nell_entity_lengths,
              wn_table, nell_table, W_k, W_c, gamma, beta, pos_embed):
    # concept embedding lookup (gather)
    wn_vec = jnp.take(wn_table, wn_synset_indexes, axis=0)      # [B,S,CC,KB]
    nell_vec = jnp.take(nell_table, nell_entity_indexes, axis=0)  # [B,S,CC,KB]
    concept_vectors = jnp.concatenate([wn_vec, nell_vec], axis=2)  # [B,S,2CC,KB]
    token_features = jnp.concatenate([slot_features, intent_features], axis=2)  # [B,S,2D]

    # knowledge attention (general method: q W k^T) with top-k masking
    q = token_features @ W_k                                      # [B,S,KB]
    scores = jnp.einsum('bsd,bskd->bsk', q, concept_vectors)      # [B,S,2CC]
    idx_mask = jnp.concatenate([wn_synset_indexes, nell_entity_indexes], axis=2)
    scores = jnp.where(idx_mask == 0, -1e9, scores)
    top_vals, _ = jax.lax.top_k(scores, TOPK)
    thresh = top_vals[..., -1:]
    scores = jnp.where(scores < thresh, -1e9, scores)
    attn = jax.nn.softmax(scores, axis=-1)
    knowledge = jnp.einsum('bsk,bskd->bsd', attn, concept_vectors)  # [B,S,KB]

    # positional embedding masked by knowledge mask
    knowledge_mask = wn_synset_lengths + nell_entity_lengths        # [B,S]
    pe = jnp.where(knowledge_mask[..., None] == 0, 0.0,
                   jnp.broadcast_to(pos_embed[None], (knowledge.shape[0], S, KB_DIM)))
    knowledge = knowledge + pe

    # context attention over knowledge sequence
    q2 = token_features @ W_c                                      # [B,S,KB]
    s2 = jnp.einsum('bsd,btd->bst', q2, knowledge)                 # [B,S,S]
    s2 = jnp.where(knowledge_mask[:, None, :] == 0, -1e9, s2)
    a2 = jax.nn.softmax(s2, axis=-1)
    contexts = jnp.einsum('bst,btd->bsd', a2, knowledge)

    # layer norm
    mu = jnp.mean(contexts, axis=-1, keepdims=True)
    var = jnp.var(contexts, axis=-1, keepdims=True)
    contexts = gamma * (contexts - mu) / jnp.sqrt(var + 1e-5) + beta
    return (knowledge, contexts)

if __name__ == "__main__":
    import jax
    _d = setup_inputs()
    print(jax.jit(kernel)(*tuple(_d.values())))

</pallas_src>

<mosaic_0001>
#map = affine_map<(d0, d1) -> (0, 0)>
#map1 = affine_map<(d0, d1) -> (0)>
module attributes {stable_mosaic.version = 14 : i64} {
  func.func @_sc_gather_body(%arg0: i32, %arg1: i32, %arg2: memref<40000x128xf32, #tpu.memory_space<hbm>>, %arg3: memref<280000x128xf32, #tpu.memory_space<hbm>>, %arg4: memref<131072xi32, #tpu.memory_space<hbm>>, %arg5: memref<131072xi32, #tpu.memory_space<hbm>>, %arg6: memref<131072x128xf32, #tpu.memory_space<hbm>>, %arg7: memref<131072x128xf32, #tpu.memory_space<hbm>>, %arg8: memref<8192xi32, #tpu.memory_space<vmem>>, %arg9: memref<2x128x128xf32, #tpu.memory_space<vmem>>, %arg10: memref<!tpu.dma_semaphore, #tpu.memory_space<semaphore_mem>>, %arg11: memref<!tpu.dma_semaphore, #tpu.memory_space<semaphore_mem>>) attributes {dimension_semantics = [#tpu.dimension_semantics<core_parallel>, #tpu.dimension_semantics<subcore_parallel>], iteration_bounds = array<i64: 2, 16>, scalar_prefetch = 0 : i64, scratch_operands = 4 : i64, tpu.core_type = #tpu.core_type<sc_vector_subcore>, window_params = [{transform_indices = #map}, {transform_indices = #map}, {transform_indices = #map1}, {transform_indices = #map1}, {transform_indices = #map}, {transform_indices = #map}]} {
    %mul3A = arith.constant 2 : i32
    %mul3A_0 = arith.muli %arg1, %mul3A : i32
    %add3A = arith.addi %mul3A_0, %arg0 : i32
    %mul3A_1 = arith.constant 4096 : i32
    %mul3A_2 = arith.muli %add3A, %mul3A_1 : i32
    %multiple_of3A = tpu.assume_multiple %mul3A_2, 4096 : i32
    "tpu.region"() ({
      %run_scoped3A = tpu.sem_alloc : memref<!tpu.dma_semaphore, #tpu.memory_space<semaphore_mem>>
      %dma_start3A_106 = arith.constant 0 : i32
      %dma_start3A_107 = tpu.memref_slice %arg8[%dma_start3A_106] : memref<8192xi32, #tpu.memory_space<vmem>> -> memref<4096xi32, #tpu.memory_space<vmem>>
      %dma_start3A_108 = tpu.memref_slice %arg4[%multiple_of3A] : memref<131072xi32, #tpu.memory_space<hbm>> -> memref<4096xi32, #tpu.memory_space<hbm>>
      %dma_start3A_109 = arith.constant 0 : i32
      %dma_start3A_110 = tpu.memref_slice %arg8[%dma_start3A_109] : memref<8192xi32, #tpu.memory_space<vmem>> -> memref<4096xi32, #tpu.memory_space<vmem>>
      %dma_start3A_111 = tpu.memref_slice %arg4[%multiple_of3A] : memref<131072xi32, #tpu.memory_space<hbm>> -> memref<4096xi32, #tpu.memory_space<hbm>>
      tpu.enqueue_dma source(%dma_start3A_111 : memref<4096xi32, #tpu.memory_space<hbm>>) target(%dma_start3A_110 : memref<4096xi32, #tpu.memory_space<vmem>>) target_semaphore(%run_scoped3A : memref<!tpu.dma_semaphore, #tpu.memory_space<semaphore_mem>>)
      %dma_wait3A_112 = arith.constant 0 : i32
      %dma_wait3A_113 = tpu.memref_slice %arg8[%dma_wait3A_112] : memref<8192xi32, #tpu.memory_space<vmem>> -> memref<4096xi32, #tpu.memory_space<vmem>>
      %dma_wait3A_114 = tpu.memref_slice %arg4[%multiple_of3A] : memref<131072xi32, #tpu.memory_space<hbm>> -> memref<4096xi32, #tpu.memory_space<hbm>>
      %dma_wait3A_115 = arith.constant 0 : i32
      %dma_wait3A_116 = tpu.memref_slice %arg8[%dma_wait3A_115] : memref<8192xi32, #tpu.memory_space<vmem>> -> memref<4096xi32, #tpu.memory_space<vmem>>
      %dma_wait3A_117 = tpu.memref_slice %arg4[%multiple_of3A] : memref<131072xi32, #tpu.memory_space<hbm>> -> memref<4096xi32, #tpu.memory_space<hbm>>
      tpu.wait_dma2 semaphore(%run_scoped3A : memref<!tpu.dma_semaphore, #tpu.memory_space<semaphore_mem>>) src(%dma_wait3A_117 : memref<4096xi32, #tpu.memory_space<hbm>>) dst(%dma_wait3A_116 : memref<4096xi32, #tpu.memory_space<vmem>>)
      tpu.yield
    }) : () -> ()
    "tpu.region"() ({
      %run_scoped3A = tpu.sem_alloc : memref<!tpu.dma_semaphore, #tpu.memory_space<semaphore_mem>>
      %dma_start3A_106 = arith.constant 4096 : i32
      %dma_start3A_107 = tpu.memref_slice %arg8[%dma_start3A_106] : memref<8192xi32, #tpu.memory_space<vmem>> -> memref<4096xi32, #tpu.memory_space<vmem>>
      %dma_start3A_108 = tpu.memref_slice %arg5[%multiple_of3A] : memref<131072xi32, #tpu.memory_space<hbm>> -> memref<4096xi32, #tpu.memory_space<hbm>>
      %dma_start3A_109 = arith.constant 4096 : i32
      %dma_start3A_110 = tpu.memref_slice %arg8[%dma_start3A_109] : memref<8192xi32, #tpu.memory_space<vmem>> -> memref<4096xi32, #tpu.memory_space<vmem>>
      %dma_start3A_111 = tpu.memref_slice %arg5[%multiple_of3A] : memref<131072xi32, #tpu.memory_space<hbm>> -> memref<4096xi32, #tpu.memory_space<hbm>>
      tpu.enqueue_dma source(%dma_start3A_111 : memref<4096xi32, #tpu.memory_space<hbm>>) target(%dma_start3A_110 : memref<4096xi32, #tpu.memory_space<vmem>>) target_semaphore(%run_scoped3A : memref<!tpu.dma_semaphore, #tpu.memory_space<semaphore_mem>>)
      %dma_wait3A_112 = arith.constant 4096 : i32
      %dma_wait3A_113 = tpu.memref_slice %arg8[%dma_wait3A_112] : memref<8192xi32, #tpu.memory_space<vmem>> -> memref<4096xi32, #tpu.memory_space<vmem>>
      %dma_wait3A_114 = tpu.memref_slice %arg5[%multiple_of3A] : memref<131072xi32, #tpu.memory_space<hbm>> -> memref<4096xi32, #tpu.memory_space<hbm>>
      %dma_wait3A_115 = arith.constant 4096 : i32
      %dma_wait3A_116 = tpu.memref_slice %arg8[%dma_wait3A_115] : memref<8192xi32, #tpu.memory_space<vmem>> -> memref<4096xi32, #tpu.memory_space<vmem>>
      %dma_wait3A_117 = tpu.memref_slice %arg5[%multiple_of3A] : memref<131072xi32, #tpu.memory_space<hbm>> -> memref<4096xi32, #tpu.memory_space<hbm>>
      tpu.wait_dma2 semaphore(%run_scoped3A : memref<!tpu.dma_semaphore, #tpu.memory_space<semaphore_mem>>) src(%dma_wait3A_117 : memref<4096xi32, #tpu.memory_space<hbm>>) dst(%dma_wait3A_116 : memref<4096xi32, #tpu.memory_space<vmem>>)
      tpu.yield
    }) : () -> ()
    %dma_start3A = arith.constant 0 : i32
    %dma_start3A_3 = arith.constant 0 : i32
    %dma_start3A_4 = arith.constant 0 : i32
    %dma_start3A_5 = tpu.memref_slice %arg9[%dma_start3A, %dma_start3A_3, %dma_start3A_4] : memref<2x128x128xf32, #tpu.memory_space<vmem>> -> memref<1x128x128xf32, #tpu.memory_space<vmem>>
    %dma_start3A_6 = tpu.memref_squeeze %dma_start3A_5 : memref<1x128x128xf32, #tpu.memory_space<vmem>> -> memref<128x128xf32, #tpu.memory_space<vmem>>
    %dma_start3A_7 = arith.constant 0 : i32
    %dma_start3A_8 = tpu.memref_slice %arg8[%dma_start3A_7] : memref<8192xi32, #tpu.memory_space<vmem>> -> memref<128xi32, #tpu.memory_space<vmem>>
    %dma_start3A_9 = arith.constant 0 : i32
    %dma_start3A_10 = arith.constant 0 : i32
    %dma_start3A_11 = tpu.memref_slice %arg2[%dma_start3A_9, %dma_start3A_10] : memref<40000x128xf32, #tpu.memory_space<hbm>> -> memref<40000x128xf32, #tpu.memory_space<hbm>>
    tpu.enqueue_indirect_dma source(%dma_start3A_11 : memref<40000x128xf32, #tpu.memory_space<hbm>>) target(%dma_start3A_6 : memref<128x128xf32, #tpu.memory_space<vmem>>) offsets(%dma_start3A_8 : memref<128xi32, #tpu.memory_space<vmem>>) semaphore(%arg10 : memref<!tpu.dma_semaphore, #tpu.memory_space<semaphore_mem>>)
    %dma_wait3A = arith.constant 0 : i32
    %dma_wait3A_12 = arith.constant 0 : i32
    %dma_wait3A_13 = arith.constant 0 : i32
    %dma_wait3A_14 = tpu.memref_slice %arg9[%dma_wait3A, %dma_wait3A_12, %dma_wait3A_13] : memref<2x128x128xf32, #tpu.memory_space<vmem>> -> memref<1x128x128xf32, #tpu.memory_space<vmem>>
    %dma_wait3A_15 = tpu.memref_squeeze %dma_wait3A_14 : memref<1x128x128xf32, #tpu.memory_space<vmem>> -> memref<128x128xf32, #tpu.memory_space<vmem>>
    %dma_wait3A_16 = arith.constant 0 : i32
    %dma_wait3A_17 = tpu.memref_slice %arg8[%dma_wait3A_16] : memref<8192xi32, #tpu.memory_space<vmem>> -> memref<128xi32, #tpu.memory_space<vmem>>
    %dma_wait3A_18 = arith.constant 0 : i32
    %dma_wait3A_19 = arith.constant 0 : i32
    %dma_wait3A_20 = tpu.memref_slice %arg2[%dma_wait3A_18, %dma_wait3A_19] : memref<40000x128xf32, #tpu.memory_space<hbm>> -> memref<40000x128xf32, #tpu.memory_space<hbm>>
    tpu.wait_indirect_dma semaphore(%arg10 : memref<!tpu.dma_semaphore, #tpu.memory_space<semaphore_mem>>) src(%dma_wait3A_20 : memref<40000x128xf32, #tpu.memory_space<hbm>>) dst(%dma_wait3A_15 : memref<128x128xf32, #tpu.memory_space<vmem>>)
    %add3A_21 = arith.constant 0 : i32
    %add3A_22 = arith.addi %multiple_of3A, %add3A_21 : i32
    %dma_start3A_23 = arith.constant 0 : i32
    %dma_start3A_24 = arith.constant 0 : i32
    %dma_start3A_25 = arith.constant 0 : i32
    %dma_start3A_26 = tpu.memref_slice %arg9[%dma_start3A_23, %dma_start3A_24, %dma_start3A_25] : memref<2x128x128xf32, #tpu.memory_space<vmem>> -> memref<1x128x128xf32, #tpu.memory_space<vmem>>
    %dma_start3A_27 = tpu.memref_squeeze %dma_start3A_26 : memref<1x128x128xf32, #tpu.memory_space<vmem>> -> memref<128x128xf32, #tpu.memory_space<vmem>>
    %dma_start3A_28 = arith.constant 0 : i32
    %dma_start3A_29 = tpu.memref_slice %arg6[%add3A_22, %dma_start3A_28] : memref<131072x128xf32, #tpu.memory_space<hbm>> -> memref<128x128xf32, #tpu.memory_space<hbm>>
    %dma_start3A_30 = arith.constant 0 : i32
    %dma_start3A_31 = tpu.memref_slice %arg6[%add3A_22, %dma_start3A_30] : memref<131072x128xf32, #tpu.memory_space<hbm>> -> memref<128x128xf32, #tpu.memory_space<hbm>>
    %dma_start3A_32 = arith.constant 0 : i32
    %dma_start3A_33 = arith.constant 0 : i32
    %dma_start3A_34 = tpu.memref_slice %arg9[%dma_start3A_23, %dma_start3A_32, %dma_start3A_33] : memref<2x128x128xf32, #tpu.memory_space<vmem>> -> memref<1x128x128xf32, #tpu.memory_space<vmem>>
    %dma_start3A_35 = tpu.memref_squeeze %dma_start3A_34 : memref<1x128x128xf32, #tpu.memory_space<vmem>> -> memref<128x128xf32, #tpu.memory_space<vmem>>
    tpu.enqueue_dma source(%dma_start3A_35 : memref<128x128xf32, #tpu.memory_space<vmem>>) target(%dma_start3A_31 : memref<128x128xf32, #tpu.memory_space<hbm>>) target_semaphore(%arg11 : memref<!tpu.dma_semaphore, #tpu.memory_space<semaphore_mem>>)
    %dma_start3A_36 = arith.constant 1 : i32
    %dma_start3A_37 = arith.constant 0 : i32
    %dma_start3A_38 = arith.constant 0 : i32
    %dma_start3A_39 = tpu.memref_slice %arg9[%dma_start3A_36, %dma_start3A_37, %dma_start3A_38] : memref<2x128x128xf32, #tpu.memory_space<vmem>> -> memref<1x128x128xf32, #tpu.memory_space<vmem>>
    %dma_start3A_40 = tpu.memref_squeeze %dma_start3A_39 : memref<1x128x128xf32, #tpu.memory_space<vmem>> -> memref<128x128xf32, #tpu.memory_space<vmem>>
    %dma_start3A_41 = arith.constant 4096 : i32
    %dma_start3A_42 = tpu.memref_slice %arg8[%dma_start3A_41] : memref<8192xi32, #tpu.memory_space<vmem>> -> memref<128xi32, #tpu.memory_space<vmem>>
    %dma_start3A_43 = arith.constant 0 : i32
    %dma_start3A_44 = arith.constant 0 : i32
    %dma_start3A_45 = tpu.memref_slice %arg3[%dma_start3A_43, %dma_start3A_44] : memref<280000x128xf32, #tpu.memory_space<hbm>> -> memref<280000x128xf32, #tpu.memory_space<hbm>>
    tpu.enqueue_indirect_dma source(%dma_start3A_45 : memref<280000x128xf32, #tpu.memory_space<hbm>>) target(%dma_start3A_40 : memref<128x128xf32, #tpu.memory_space<vmem>>) offsets(%dma_start3A_42 : memref<128xi32, #tpu.memory_space<vmem>>) semaphore(%arg10 : memref<!tpu.dma_semaphore, #tpu.memory_space<semaphore_mem>>)
    %dma_wait3A_46 = arith.constant 1 : i32
    %dma_wait3A_47 = arith.constant 0 : i32
    %dma_wait3A_48 = arith.constant 0 : i32
    %dma_wait3A_49 = tpu.memref_slice %arg9[%dma_wait3A_46, %dma_wait3A_47, %dma_wait3A_48] : memref<2x128x128xf32, #tpu.memory_space<vmem>> -> memref<1x128x128xf32, #tpu.memory_space<vmem>>
    %dma_wait3A_50 = tpu.memref_squeeze %dma_wait3A_49 : memref<1x128x128xf32, #tpu.memory_space<vmem>> -> memref<128x128xf32, #tpu.memory_space<vmem>>
    %dma_wait3A_51 = arith.constant 4096 : i32
    %dma_wait3A_52 = tpu.memref_slice %arg8[%dma_wait3A_51] : memref<8192xi32, #tpu.memory_space<vmem>> -> memref<128xi32, #tpu.memory_space<vmem>>
    %dma_wait3A_53 = arith.constant 0 : i32
    %dma_wait3A_54 = arith.constant 0 : i32
    %dma_wait3A_55 = tpu.memref_slice %arg3[%dma_wait3A_53, %dma_wait3A_54] : memref<280000x128xf32, #tpu.memory_space<hbm>> -> memref<280000x128xf32, #tpu.memory_space<hbm>>
    tpu.wait_indirect_dma semaphore(%arg10 : memref<!tpu.dma_semaphore, #tpu.memory_space<semaphore_mem>>) src(%dma_wait3A_55 : memref<280000x128xf32, #tpu.memory_space<hbm>>) dst(%dma_wait3A_50 : memref<128x128xf32, #tpu.memory_space<vmem>>)
    %add3A_56 = arith.constant 0 : i32
    %add3A_57 = arith.addi %multiple_of3A, %add3A_56 : i32
    %dma_start3A_58 = arith.constant 1 : i32
    %dma_start3A_59 = arith.constant 0 : i32
    %dma_start3A_60 = arith.constant 0 : i32
    %dma_start3A_61 = tpu.memref_slice %arg9[%dma_start3A_58, %dma_start3A_59, %dma_start3A_60] : memref<2x128x128xf32, #tpu.memory_space<vmem>> -> memref<1x128x128xf32, #tpu.memory_space<vmem>>
    %dma_start3A_62 = tpu.memref_squeeze %dma_start3A_61 : memref<1x128x128xf32, #tpu.memory_space<vmem>> -> memref<128x128xf32, #tpu.memory_space<vmem>>
    %dma_start3A_63 = arith.constant 0 : i32
    %dma_start3A_64 = tpu.memref_slice %arg7[%add3A_57, %dma_start3A_63] : memref<131072x128xf32, #tpu.memory_space<hbm>> -> memref<128x128xf32, #tpu.memory_space<hbm>>
    %dma_start3A_65 = arith.constant 0 : i32
    %dma_start3A_66 = tpu.memref_slice %arg7[%add3A_57, %dma_start3A_65] : memref<131072x128xf32, #tpu.memory_space<hbm>> -> memref<128x128xf32, #tpu.memory_space<hbm>>
    %dma_start3A_67 = arith.constant 0 : i32
    %dma_start3A_68 = arith.constant 0 : i32
    %dma_start3A_69 = tpu.memref_slice %arg9[%dma_start3A_58, %dma_start3A_67, %dma_start3A_68] : memref<2x128x128xf32, #tpu.memory_space<vmem>> -> memref<1x128x128xf32, #tpu.memory_space<vmem>>
    %dma_start3A_70 = tpu.memref_squeeze %dma_start3A_69 : memref<1x128x128xf32, #tpu.memory_space<vmem>> -> memref<128x128xf32, #tpu.memory_space<vmem>>
    tpu.enqueue_dma source(%dma_start3A_70 : memref<128x128xf32, #tpu.memory_space<vmem>>) target(%dma_start3A_66 : memref<128x128xf32, #tpu.memory_space<hbm>>) target_semaphore(%arg11 : memref<!tpu.dma_semaphore, #tpu.memory_space<semaphore_mem>>)
    %scan3A = arith.constant 0 : i32
    %scan3A_71 = arith.constant 1 : i32
    %scan3A_72 = arith.constant 31 : i32
    %scan3A_73 = arith.addi %scan3A_71, %scan3A_72 : i32
    %scan3A_74 = arith.constant 1 : i32
    scf.for %scan3A_106 = %scan3A_71 to %scan3A_73 step %scan3A_74  : i32 {
      %mul3A_107 = arith.constant 128 : i32
      %mul3A_108 = arith.muli %scan3A_106, %mul3A_107 : i32
      %multiple_of3A_109 = tpu.assume_multiple %mul3A_108, 128 : i32
      %dma_wait3A_110 = arith.constant 0 : i32
      %dma_wait3A_111 = arith.constant 0 : i32
      %dma_wait3A_112 = arith.constant 0 : i32
      %dma_wait3A_113 = tpu.memref_slice %arg9[%dma_wait3A_110, %dma_wait3A_111, %dma_wait3A_112] : memref<2x128x128xf32, #tpu.memory_space<vmem>> -> memref<1x128x128xf32, #tpu.memory_space<vmem>>
      %dma_wait3A_114 = tpu.memref_squeeze %dma_wait3A_113 : memref<1x128x128xf32, #tpu.memory_space<vmem>> -> memref<128x128xf32, #tpu.memory_space<vmem>>
      %dma_wait3A_115 = arith.constant 0 : i32
      %dma_wait3A_116 = arith.constant 0 : i32
      %dma_wait3A_117 = tpu.memref_slice %arg6[%dma_wait3A_115, %dma_wait3A_116] : memref<131072x128xf32, #tpu.memory_space<hbm>> -> memref<128x128xf32, #tpu.memory_space<hbm>>
      %dma_wait3A_118 = arith.constant 0 : i32
      %dma_wait3A_119 = arith.constant 0 : i32
      %dma_wait3A_120 = tpu.memref_slice %arg6[%dma_wait3A_118, %dma_wait3A_119] : memref<131072x128xf32, #tpu.memory_space<hbm>> -> memref<128x128xf32, #tpu.memory_space<hbm>>
      %dma_wait3A_121 = arith.constant 0 : i32
      %dma_wait3A_122 = arith.constant 0 : i32
      %dma_wait3A_123 = tpu.memref_slice %arg9[%dma_wait3A_110, %dma_wait3A_121, %dma_wait3A_122] : memref<2x128x128xf32, #tpu.memory_space<vmem>> -> memref<1x128x128xf32, #tpu.memory_space<vmem>>
      %dma_wait3A_124 = tpu.memref_squeeze %dma_wait3A_123 : memref<1x128x128xf32, #tpu.memory_space<vmem>> -> memref<128x128xf32, #tpu.memory_space<vmem>>
      tpu.wait_dma2 semaphore(%arg11 : memref<!tpu.dma_semaphore, #tpu.memory_space<semaphore_mem>>) src(%dma_wait3A_124 : memref<128x128xf32, #tpu.memory_space<vmem>>) dst(%dma_wait3A_120 : memref<128x128xf32, #tpu.memory_space<hbm>>)
      %dma_start3A_125 = arith.constant 0 : i32
      %dma_start3A_126 = arith.constant 0 : i32
      %dma_start3A_127 = arith.constant 0 : i32
      %dma_start3A_128 = tpu.memref_slice %arg9[%dma_start3A_125, %dma_start3A_126, %dma_start3A_127] : memref<2x128x128xf32, #tpu.memory_space<vmem>> -> memref<1x128x128xf32, #tpu.memory_space<vmem>>
      %dma_start3A_129 = tpu.memref_squeeze %dma_start3A_128 : memref<1x128x128xf32, #tpu.memory_space<vmem>> -> memref<128x128xf32, #tpu.memory_space<vmem>>
      %dma_start3A_130 = tpu.memref_slice %arg8[%multiple_of3A_109] : memref<8192xi32, #tpu.memory_space<vmem>> -> memref<128xi32, #tpu.memory_space<vmem>>
      %dma_start3A_131 = arith.constant 0 : i32
      %dma_start3A_132 = arith.constant 0 : i32
      %dma_start3A_133 = tpu.memref_slice %arg2[%dma_start3A_131, %dma_start3A_132] : memref<40000x128xf32, #tpu.memory_space<hbm>> -> memref<40000x128xf32, #tpu.memory_space<hbm>>
      tpu.enqueue_indirect_dma source(%dma_start3A_133 : memref<40000x128xf32, #tpu.memory_space<hbm>>) target(%dma_start3A_129 : memref<128x128xf32, #tpu.memory_space<vmem>>) offsets(%dma_start3A_130 : memref<128xi32, #tpu.memory_space<vmem>>) semaphore(%arg10 : memref<!tpu.dma_semaphore, #tpu.memory_space<semaphore_mem>>)
      %dma_wait3A_134 = arith.constant 0 : i32
      %dma_wait3A_135 = arith.constant 0 : i32
      %dma_wait3A_136 = arith.constant 0 : i32
      %dma_wait3A_137 = tpu.memref_slice %arg9[%dma_wait3A_134, %dma_wait3A_135, %dma_wait3A_136] : memref<2x128x128xf32, #tpu.memory_space<vmem>> -> memref<1x128x128xf32, #tpu.memory_space<vmem>>
      %dma_wait3A_138 = tpu.memref_squeeze %dma_wait3A_137 : memref<1x128x128xf32, #tpu.memory_space<vmem>> -> memref<128x128xf32, #tpu.memory_space<vmem>>
      %dma_wait3A_139 = tpu.memref_slice %arg8[%multiple_of3A_109] : memref<8192xi32, #tpu.memory_space<vmem>> -> memref<128xi32, #tpu.memory_space<vmem>>
      %dma_wait3A_140 = arith.constant 0 : i32
      %dma_wait3A_141 = arith.constant 0 : i32
      %dma_wait3A_142 = tpu.memref_slice %arg2[%dma_wait3A_140, %dma_wait3A_141] : memref<40000x128xf32, #tpu.memory_space<hbm>> -> memref<40000x128xf32, #tpu.memory_space<hbm>>
      tpu.wait_indirect_dma semaphore(%arg10 : memref<!tpu.dma_semaphore, #tpu.memory_space<semaphore_mem>>) src(%dma_wait3A_142 : memref<40000x128xf32, #tpu.memory_space<hbm>>) dst(%dma_wait3A_138 : memref<128x128xf32, #tpu.memory_space<vmem>>)
      %add3A_143 = arith.addi %multiple_of3A, %multiple_of3A_109 : i32
      %dma_start3A_144 = arith.constant 0 : i32
      %dma_start3A_145 = arith.constant 0 : i32
      %dma_start3A_146 = arith.constant 0 : i32
      %dma_start3A_147 = tpu.memref_slice %arg9[%dma_start3A_144, %dma_start3A_145, %dma_start3A_146] : memref<2x128x128xf32, #tpu.memory_space<vmem>> -> memref<1x128x128xf32, #tpu.memory_space<vmem>>
      %dma_start3A_148 = tpu.memref_squeeze %dma_start3A_147 : memref<1x128x128xf32, #tpu.memory_space<vmem>> -> memref<128x128xf32, #tpu.memory_space<vmem>>
      %dma_start3A_149 = arith.constant 0 : i32
      %dma_start3A_150 = tpu.memref_slice %arg6[%add3A_143, %dma_start3A_149] : memref<131072x128xf32, #tpu.memory_space<hbm>> -> memref<128x128xf32, #tpu.memory_space<hbm>>
      %dma_start3A_151 = arith.constant 0 : i32
      %dma_start3A_152 = tpu.memref_slice %arg6[%add3A_143, %dma_start3A_151] : memref<131072x128xf32, #tpu.memory_space<hbm>> -> memref<128x128xf32, #tpu.memory_space<hbm>>
      %dma_start3A_153 = arith.constant 0 : i32
      %dma_start3A_154 = arith.constant 0 : i32
      %dma_start3A_155 = tpu.memref_slice %arg9[%dma_start3A_144, %dma_start3A_153, %dma_start3A_154] : memref<2x128x128xf32, #tpu.memory_space<vmem>> -> memref<1x128x128xf32, #tpu.memory_space<vmem>>
      %dma_start3A_156 = tpu.memref_squeeze %dma_start3A_155 : memref<1x128x128xf32, #tpu.memory_space<vmem>> -> memref<128x128xf32, #tpu.memory_space<vmem>>
      tpu.enqueue_dma source(%dma_start3A_156 : memref<128x128xf32, #tpu.memory_space<vmem>>) target(%dma_start3A_152 : memref<128x128xf32, #tpu.memory_space<hbm>>) target_semaphore(%arg11 : memref<!tpu.dma_semaphore, #tpu.memory_space<semaphore_mem>>)
      %add3A_157 = arith.constant 4096 : i32
      %add3A_158 = arith.addi %add3A_157, %multiple_of3A_109 : i32
      %dma_wait3A_159 = arith.constant 1 : i32
      %dma_wait3A_160 = arith.constant 0 : i32
      %dma_wait3A_161 = arith.constant 0 : i32
      %dma_wait3A_162 = tpu.memref_slice %arg9[%dma_wait3A_159, %dma_wait3A_160, %dma_wait3A_161] : memref<2x128x128xf32, #tpu.memory_space<vmem>> -> memref<1x128x128xf32, #tpu.memory_space<vmem>>
      %dma_wait3A_163 = tpu.memref_squeeze %dma_wait3A_162 : memref<1x128x128xf32, #tpu.memory_space<vmem>> -> memref<128x128xf32, #tpu.memory_space<vmem>>
      %dma_wait3A_164 = arith.constant 0 : i32
      %dma_wait3A_165 = arith.constant 0 : i32
      %dma_wait3A_166 = tpu.memref_slice %arg7[%dma_wait3A_164, %dma_wait3A_165] : memref<131072x128xf32, #tpu.memory_space<hbm>> -> memref<128x128xf32, #tpu.memory_space<hbm>>
      %dma_wait3A_167 = arith.constant 0 : i32
      %dma_wait3A_168 = arith.constant 0 : i32
      %dma_wait3A_169 = tpu.memref_slice %arg7[%dma_wait3A_167, %dma_wait3A_168] : memref<131072x128xf32, #tpu.memory_space<hbm>> -> memref<128x128xf32, #tpu.memory_space<hbm>>
      %dma_wait3A_170 = arith.constant 0 : i32
      %dma_wait3A_171 = arith.constant 0 : i32
      %dma_wait3A_172 = tpu.memref_slice %arg9[%dma_wait3A_159, %dma_wait3A_170, %dma_wait3A_171] : memref<2x128x128xf32, #tpu.memory_space<vmem>> -> memref<1x128x128xf32, #tpu.memory_space<vmem>>
      %dma_wait3A_173 = tpu.memref_squeeze %dma_wait3A_172 : memref<1x128x128xf32, #tpu.memory_space<vmem>> -> memref<128x128xf32, #tpu.memory_space<vmem>>
      tpu.wait_dma2 semaphore(%arg11 : memref<!tpu.dma_semaphore, #tpu.memory_space<semaphore_mem>>) src(%dma_wait3A_173 : memref<128x128xf32, #tpu.memory_space<vmem>>) dst(%dma_wait3A_169 : memref<128x128xf32, #tpu.memory_space<hbm>>)
      %dma_start3A_174 = arith.constant 1 : i32
      %dma_start3A_175 = arith.constant 0 : i32
      %dma_start3A_176 = arith.constant 0 : i32
      %dma_start3A_177 = tpu.memref_slice %arg9[%dma_start3A_174, %dma_start3A_175, %dma_start3A_176] : memref<2x128x128xf32, #tpu.memory_space<vmem>> -> memref<1x128x128xf32, #tpu.memory_space<vmem>>
      %dma_start3A_178 = tpu.memref_squeeze %dma_start3A_177 : memref<1x128x128xf32, #tpu.memory_space<vmem>> -> memref<128x128xf32, #tpu.memory_space<vmem>>
      %dma_start3A_179 = tpu.memref_slice %arg8[%add3A_158] : memref<8192xi32, #tpu.memory_space<vmem>> -> memref<128xi32, #tpu.memory_space<vmem>>
      %dma_start3A_180 = arith.constant 0 : i32
      %dma_start3A_181 = arith.constant 0 : i32
      %dma_start3A_182 = tpu.memref_slice %arg3[%dma_start3A_180, %dma_start3A_181] : memref<280000x128xf32, #tpu.memory_space<hbm>> -> memref<280000x128xf32, #tpu.memory_space<hbm>>
      tpu.enqueue_indirect_dma source(%dma_start3A_182 : memref<280000x128xf32, #tpu.memory_space<hbm>>) target(%dma_start3A_178 : memref<128x128xf32, #tpu.memory_space<vmem>>) offsets(%dma_start3A_179 : memref<128xi32, #tpu.memory_space<vmem>>) semaphore(%arg10 : memref<!tpu.dma_semaphore, #tpu.memory_space<semaphore_mem>>)
      %dma_wait3A_183 = arith.constant 1 : i32
      %dma_wait3A_184 = arith.constant 0 : i32
      %dma_wait3A_185 = arith.constant 0 : i32
      %dma_wait3A_186 = tpu.memref_slice %arg9[%dma_wait3A_183, %dma_wait3A_184, %dma_wait3A_185] : memref<2x128x128xf32, #tpu.memory_space<vmem>> -> memref<1x128x128xf32, #tpu.memory_space<vmem>>
      %dma_wait3A_187 = tpu.memref_squeeze %dma_wait3A_186 : memref<1x128x128xf32, #tpu.memory_space<vmem>> -> memref<128x128xf32, #tpu.memory_space<vmem>>
      %dma_wait3A_188 = tpu.memref_slice %arg8[%add3A_158] : memref<8192xi32, #tpu.memory_space<vmem>> -> memref<128xi32, #tpu.memory_space<vmem>>
      %dma_wait3A_189 = arith.constant 0 : i32
      %dma_wait3A_190 = arith.constant 0 : i32
      %dma_wait3A_191 = tpu.memref_slice %arg3[%dma_wait3A_189, %dma_wait3A_190] : memref<280000x128xf32, #tpu.memory_space<hbm>> -> memref<280000x128xf32, #tpu.memory_space<hbm>>
      tpu.wait_indirect_dma semaphore(%arg10 : memref<!tpu.dma_semaphore, #tpu.memory_space<semaphore_mem>>) src(%dma_wait3A_191 : memref<280000x128xf32, #tpu.memory_space<hbm>>) dst(%dma_wait3A_187 : memref<128x128xf32, #tpu.memory_space<vmem>>)
      %add3A_192 = arith.addi %multiple_of3A, %multiple_of3A_109 : i32
      %dma_start3A_193 = arith.constant 1 : i32
      %dma_start3A_194 = arith.constant 0 : i32
      %dma_start3A_195 = arith.constant 0 : i32
      %dma_start3A_196 = tpu.memref_slice %arg9[%dma_start3A_193, %dma_start3A_194, %dma_start3A_195] : memref<2x128x128xf32, #tpu.memory_space<vmem>> -> memref<1x128x128xf32, #tpu.memory_space<vmem>>
      %dma_start3A_197 = tpu.memref_squeeze %dma_start3A_196 : memref<1x128x128xf32, #tpu.memory_space<vmem>> -> memref<128x128xf32, #tpu.memory_space<vmem>>
      %dma_start3A_198 = arith.constant 0 : i32
      %dma_start3A_199 = tpu.memref_slice %arg7[%add3A_192, %dma_start3A_198] : memref<131072x128xf32, #tpu.memory_space<hbm>> -> memref<128x128xf32, #tpu.memory_space<hbm>>
      %dma_start3A_200 = arith.constant 0 : i32
      %dma_start3A_201 = tpu.memref_slice %arg7[%add3A_192, %dma_start3A_200] : memref<131072x128xf32, #tpu.memory_space<hbm>> -> memref<128x128xf32, #tpu.memory_space<hbm>>
      %dma_start3A_202 = arith.constant 0 : i32
      %dma_start3A_203 = arith.constant 0 : i32
      %dma_start3A_204 = tpu.memref_slice %arg9[%dma_start3A_193, %dma_start3A_202, %dma_start3A_203] : memref<2x128x128xf32, #tpu.memory_space<vmem>> -> memref<1x128x128xf32, #tpu.memory_space<vmem>>
      %dma_start3A_205 = tpu.memref_squeeze %dma_start3A_204 : memref<1x128x128xf32, #tpu.memory_space<vmem>> -> memref<128x128xf32, #tpu.memory_space<vmem>>
      tpu.enqueue_dma source(%dma_start3A_205 : memref<128x128xf32, #tpu.memory_space<vmem>>) target(%dma_start3A_201 : memref<128x128xf32, #tpu.memory_space<hbm>>) target_semaphore(%arg11 : memref<!tpu.dma_semaphore, #tpu.memory_space<semaphore_mem>>)
    }
    %scan3A_75 = arith.constant 31 : i32
    %dma_wait3A_76 = arith.constant 0 : i32
    %dma_wait3A_77 = arith.constant 0 : i32
    %dma_wait3A_78 = arith.constant 0 : i32
    %dma_wait3A_79 = tpu.memref_slice %arg9[%dma_wait3A_76, %dma_wait3A_77, %dma_wait3A_78] : memref<2x128x128xf32, #tpu.memory_space<vmem>> -> memref<1x128x128xf32, #tpu.memory_space<vmem>>
    %dma_wait3A_80 = tpu.memref_squeeze %dma_wait3A_79 : memref<1x128x128xf32, #tpu.memory_space<vmem>> -> memref<128x128xf32, #tpu.memory_space<vmem>>
    %dma_wait3A_81 = arith.constant 0 : i32
    %dma_wait3A_82 = arith.constant 0 : i32
    %dma_wait3A_83 = tpu.memref_slice %arg6[%dma_wait3A_81, %dma_wait3A_82] : memref<131072x128xf32, #tpu.memory_space<hbm>> -> memref<128x128xf32, #tpu.memory_space<hbm>>
    %dma_wait3A_84 = arith.constant 0 : i32
    %dma_wait3A_85 = arith.constant 0 : i32
    %dma_wait3A_86 = tpu.memref_slice %arg6[%dma_wait3A_84, %dma_wait3A_85] : memref<131072x128xf32, #tpu.memory_space<hbm>> -> memref<128x128xf32, #tpu.memory_space<hbm>>
    %dma_wait3A_87 = arith.constant 0 : i32
    %dma_wait3A_88 = arith.constant 0 : i32
    %dma_wait3A_89 = tpu.memref_slice %arg9[%dma_wait3A_76, %dma_wait3A_87, %dma_wait3A_88] : memref<2x128x128xf32, #tpu.memory_space<vmem>> -> memref<1x128x128xf32, #tpu.memory_space<vmem>>
    %dma_wait3A_90 = tpu.memref_squeeze %dma_wait3A_89 : memref<1x128x128xf32, #tpu.memory_space<vmem>> -> memref<128x128xf32, #tpu.memory_space<vmem>>
    tpu.wait_dma2 semaphore(%arg11 : memref<!tpu.dma_semaphore, #tpu.memory_space<semaphore_mem>>) src(%dma_wait3A_90 : memref<128x128xf32, #tpu.memory_space<vmem>>) dst(%dma_wait3A_86 : memref<128x128xf32, #tpu.memory_space<hbm>>)
    %dma_wait3A_91 = arith.constant 1 : i32
    %dma_wait3A_92 = arith.constant 0 : i32
    %dma_wait3A_93 = arith.constant 0 : i32
    %dma_wait3A_94 = tpu.memref_slice %arg9[%dma_wait3A_91, %dma_wait3A_92, %dma_wait3A_93] : memref<2x128x128xf32, #tpu.memory_space<vmem>> -> memref<1x128x128xf32, #tpu.memory_space<vmem>>
    %dma_wait3A_95 = tpu.memref_squeeze %dma_wait3A_94 : memref<1x128x128xf32, #tpu.memory_space<vmem>> -> memref<128x128xf32, #tpu.memory_space<vmem>>
    %dma_wait3A_96 = arith.constant 0 : i32
    %dma_wait3A_97 = arith.constant 0 : i32
    %dma_wait3A_98 = tpu.memref_slice %arg6[%dma_wait3A_96, %dma_wait3A_97] : memref<131072x128xf32, #tpu.memory_space<hbm>> -> memref<128x128xf32, #tpu.memory_space<hbm>>
    %dma_wait3A_99 = arith.constant 0 : i32
    %dma_wait3A_100 = arith.constant 0 : i32
    %dma_wait3A_101 = tpu.memref_slice %arg6[%dma_wait3A_99, %dma_wait3A_100] : memref<131072x128xf32, #tpu.memory_space<hbm>> -> memref<128x128xf32, #tpu.memory_space<hbm>>
    %dma_wait3A_102 = arith.constant 0 : i32
    %dma_wait3A_103 = arith.constant 0 : i32
    %dma_wait3A_104 = tpu.memref_slice %arg9[%dma_wait3A_91, %dma_wait3A_102, %dma_wait3A_103] : memref<2x128x128xf32, #tpu.memory_space<vmem>> -> memref<1x128x128xf32, #tpu.memory_space<vmem>>
    %dma_wait3A_105 = tpu.memref_squeeze %dma_wait3A_104 : memref<1x128x128xf32, #tpu.memory_space<vmem>> -> memref<128x128xf32, #tpu.memory_space<vmem>>
    tpu.wait_dma2 semaphore(%arg11 : memref<!tpu.dma_semaphore, #tpu.memory_space<semaphore_mem>>) src(%dma_wait3A_105 : memref<128x128xf32, #tpu.memory_space<vmem>>) dst(%dma_wait3A_101 : memref<128x128xf32, #tpu.memory_space<hbm>>)
    return
  }
}

module attributes {stable_mosaic.version = 14 : i64} {
  func.func @_pad_body(%arg0: i32, %arg1: memref<2000x100xf32, #tpu.memory_space<vmem>>, %arg2: memref<2000x128xf32, #tpu.memory_space<vmem>>) attributes {dimension_semantics = [#tpu.dimension_semantics<arbitrary>], iteration_bounds = array<i64: 140>, scalar_prefetch = 0 : i64, scratch_operands = 0 : i64, tpu.core_type = #tpu.core_type<tc>, window_params = [{transform_indices = @transform_0, window_bounds = array<i64: 2000, 100>}, {transform_indices = @transform_1, window_bounds = array<i64: 2000, 128>}]} {
    %get3A = arith.constant 0 : index
    %get3A_0 = arith.constant 0 : index
    %get3A_1 = vector.load %arg1[%get3A, %get3A_0] : memref<2000x100xf32, #tpu.memory_space<vmem>>, vector<2000x100xf32>
    %broadcast_in_dim3A = arith.constant 0.000000e+00 : f32
    %broadcast_in_dim3A_2 = vector.broadcast %broadcast_in_dim3A : f32 to vector<2000x28xf32>
    %concatenate3A = tpu.concatenate %get3A_1, %broadcast_in_dim3A_2 in 1 : vector<2000x100xf32>, vector<2000x28xf32> -> vector<2000x128xf32>
    %swap3A = arith.constant 0 : index
    %swap3A_3 = arith.constant 0 : index
    %swap3A_4 = vector.load %arg2[%swap3A, %swap3A_3] : memref<2000x128xf32, #tpu.memory_space<vmem>>, vector<2000x128xf32>
    tpu.vector_store %arg2[%swap3A, %swap3A_3], %concatenate3A {strides = array<i32>} : memref<2000x128xf32, #tpu.memory_space<vmem>>, vector<2000x128xf32>,
    return
  }
  func.func @transform_0(%arg0: i32) -> (i32, i32) {
    %c0_i32 = arith.constant 0 : i32
    %c0_i32_0 = arith.constant 0 : i32
    return %arg0, %c0_i32 : i32, i32
  }
  func.func @transform_1(%arg0: i32) -> (i32, i32) {
    %c0_i32 = arith.constant 0 : i32
    %c0_i32_0 = arith.constant 0 : i32
    return %arg0, %c0_i32 : i32, i32
  }
}

module attributes {stable_mosaic.version = 14 : i64} {
  func.func @_pad_body(%arg0: i32, %arg1: memref<2000x100xf32, #tpu.memory_space<vmem>>, %arg2: memref<2000x128xf32, #tpu.memory_space<vmem>>) attributes {dimension_semantics = [#tpu.dimension_semantics<arbitrary>], iteration_bounds = array<i64: 20>, scalar_prefetch = 0 : i64, scratch_operands = 0 : i64, tpu.core_type = #tpu.core_type<tc>, window_params = [{transform_indices = @transform_0, window_bounds = array<i64: 2000, 100>}, {transform_indices = @transform_1, window_bounds = array<i64: 2000, 128>}]} {
    %get3A = arith.constant 0 : index
    %get3A_0 = arith.constant 0 : index
    %get3A_1 = vector.load %arg1[%get3A, %get3A_0] : memref<2000x100xf32, #tpu.memory_space<vmem>>, vector<2000x100xf32>
    %broadcast_in_dim3A = arith.constant 0.000000e+00 : f32
    %broadcast_in_dim3A_2 = vector.broadcast %broadcast_in_dim3A : f32 to vector<2000x28xf32>
    %concatenate3A = tpu.concatenate %get3A_1, %broadcast_in_dim3A_2 in 1 : vector<2000x100xf32>, vector<2000x28xf32> -> vector<2000x128xf32>
    %swap3A = arith.constant 0 : index
    %swap3A_3 = arith.constant 0 : index
    %swap3A_4 = vector.load %arg2[%swap3A, %swap3A_3] : memref<2000x128xf32, #tpu.memory_space<vmem>>, vector<2000x128xf32>
    tpu.vector_store %arg2[%swap3A, %swap3A_3], %concatenate3A {strides = array<i32>} : memref<2000x128xf32, #tpu.memory_space<vmem>>, vector<2000x128xf32>,
    return
  }
  func.func @transform_0(%arg0: i32) -> (i32, i32) {
    %c0_i32 = arith.constant 0 : i32
    %c0_i32_0 = arith.constant 0 : i32
    return %arg0, %c0_i32 : i32, i32
  }
  func.func @transform_1(%arg0: i32) -> (i32, i32) {
    %c0_i32 = arith.constant 0 : i32
    %c0_i32_0 = arith.constant 0 : i32
    return %arg0, %c0_i32 : i32, i32
  }
}

module attributes {stable_mosaic.version = 14 : i64} {
  func.func @_dense_body(%arg0: i32, %arg1: memref<1x64x768xf32, #tpu.memory_space<vmem>>, %arg2: memref<1x64x768xf32, #tpu.memory_space<vmem>>, %arg3: memref<1x64x32x128xf32, #tpu.memory_space<vmem>>, %arg4: memref<1x64x32x128xf32, #tpu.memory_space<vmem>>, %arg5: memref<1x64x32xi32, #tpu.memory_space<vmem>>, %arg6: memref<1x64x32xi32, #tpu.memory_space<vmem>>, %arg7: memref<1x1x64xi32, #tpu.memory_space<vmem>>, %arg8: memref<1x64x1xi32, #tpu.memory_space<vmem>>, %arg9: memref<1536x128xf32, #tpu.memory_space<vmem>>, %arg10: memref<1536x128xf32, #tpu.memory_space<vmem>>, %arg11: memref<1x100xf32, #tpu.memory_space<vmem>>, %arg12: memref<1x100xf32, #tpu.memory_space<vmem>>, %arg13: memref<64x128xf32, #tpu.memory_space<vmem>>, %arg14: memref<1x64x100xf32, #tpu.memory_space<vmem>>, %arg15: memref<1x64x100xf32, #tpu.memory_space<vmem>>) attributes {dimension_semantics = [#tpu.dimension_semantics<arbitrary>], iteration_bounds = array<i64: 64>, scalar_prefetch = 0 : i64, scratch_operands = 0 : i64, tpu.core_type = #tpu.core_type<tc>, window_params = [{transform_indices = @transform_0, window_bounds = array<i64: 1, 64, 768>}, {transform_indices = @transform_1, window_bounds = array<i64: 1, 64, 768>}, {transform_indices = @transform_2, window_bounds = array<i64: 1, 64, 32, 128>}, {transform_indices = @transform_3, window_bounds = array<i64: 1, 64, 32, 128>}, {transform_indices = @transform_4, window_bounds = array<i64: 1, 64, 32>}, {transform_indices = @transform_5, window_bounds = array<i64: 1, 64, 32>}, {transform_indices = @transform_6, window_bounds = array<i64: 1, 1, 64>}, {transform_indices = @transform_7, window_bounds = array<i64: 1, 64, 1>}, {pipeline_mode = #tpu.pipeline_mode<synchronous>, transform_indices = @transform_8, window_bounds = array<i64: 1536, 128>}, {pipeline_mode = #tpu.pipeline_mode<synchronous>, transform_indices = @transform_9, window_bounds = array<i64: 1536, 128>}, {pipeline_mode = #tpu.pipeline_mode<synchronous>, transform_indices = @transform_10, window_bounds = array<i64: 1, 100>}, {pipeline_mode = #tpu.pipeline_mode<synchronous>, transform_indices = @transform_11, window_bounds = array<i64: 1, 100>}, {pipeline_mode = #tpu.pipeline_mode<synchronous>, transform_indices = @transform_12, window_bounds = array<i64: 64, 128>}, {transform_indices = @transform_13, window_bounds = array<i64: 1, 64, 100>}, {transform_indices = @transform_14, window_bounds = array<i64: 1, 64, 100>}]} {
    %get3A = arith.constant 0 : index
    %get3A_0 = arith.constant 0 : index
    %get3A_1 = arith.constant 0 : index
    %get3A_2 = vector.load %arg1[%get3A, %get3A_0, %get3A_1] : memref<1x64x768xf32, #tpu.memory_space<vmem>>, vector<1x64x768xf32>
    %get3A_3 = vector.shape_cast %get3A_2 : vector<1x64x768xf32> to vector<64x768xf32>
    %get3A_4 = arith.constant 0 : index
    %get3A_5 = arith.constant 0 : index
    %get3A_6 = arith.constant 0 : index
    %get3A_7 = vector.load %arg2[%get3A_4, %get3A_5, %get3A_6] : memref<1x64x768xf32, #tpu.memory_space<vmem>>, vector<1x64x768xf32>
    %get3A_8 = vector.shape_cast %get3A_7 : vector<1x64x768xf32> to vector<64x768xf32>
    %get3A_9 = arith.constant 0 : index
    %get3A_10 = arith.constant 0 : index
    %get3A_11 = vector.load %arg9[%get3A_9, %get3A_10] : memref<1536x128xf32, #tpu.memory_space<vmem>>, vector<1536x128xf32>
    %get3A_12 = arith.constant 0 : index
    %get3A_13 = arith.constant 0 : index
    %get3A_14 = vector.load %arg10[%get3A_12, %get3A_13] : memref<1536x128xf32, #tpu.memory_space<vmem>>, vector<1536x128xf32>
    %slice3A = vector.extract_strided_slice %get3A_11 {offsets = [0, 0], sizes = [768, 128], strides = [1, 1]} : vector<1536x128xf32> to vector<768x128xf32>
    %dot_general3A = arith.constant dense<0.000000e+00> : vector<64x128xf32>
    %dot_general3A_15 = tpu.matmul %get3A_3, %slice3A, %dot_general3A {dimension_numbers = #tpu.dot_dimension_numbers<[1], [0], [0], [1], [0, 0, 1, 1], [], []>, transpose_lhs_hint = false} : vector<64x768xf32>, vector<768x128xf32>, vector<64x128xf32> -> vector<64x128xf32>
    %slice3A_16 = vector.extract_strided_slice %get3A_11 {offsets = [768, 0], sizes = [768, 128], strides = [1, 1]} : vector<1536x128xf32> to vector<768x128xf32>
    %dot_general3A_17 = arith.constant dense<0.000000e+00> : vector<64x128xf32>
    %dot_general3A_18 = tpu.matmul %get3A_8, %slice3A_16, %dot_general3A_17 {dimension_numbers = #tpu.dot_dimension_numbers<[1], [0], [0], [1], [0, 0, 1, 1], [], []>, transpose_lhs_hint = false} : vector<64x768xf32>, vector<768x128xf32>, vector<64x128xf32> -> vector<64x128xf32>
    %add3A = arith.addf %dot_general3A_15, %dot_general3A_18 : vector<64x128xf32>
    %slice3A_19 = vector.extract_strided_slice %get3A_14 {offsets = [0, 0], sizes = [768, 128], strides = [1, 1]} : vector<1536x128xf32> to vector<768x128xf32>
    %dot_general3A_20 = arith.constant dense<0.000000e+00> : vector<64x128xf32>
    %dot_general3A_21 = tpu.matmul %get3A_3, %slice3A_19, %dot_general3A_20 {dimension_numbers = #tpu.dot_dimension_numbers<[1], [0], [0], [1], [0, 0, 1, 1], [], []>, transpose_lhs_hint = false} : vector<64x768xf32>, vector<768x128xf32>, vector<64x128xf32> -> vector<64x128xf32>
    %slice3A_22 = vector.extract_strided_slice %get3A_14 {offsets = [768, 0], sizes = [768, 128], strides = [1, 1]} : vector<1536x128xf32> to vector<768x128xf32>
    %dot_general3A_23 = arith.constant dense<0.000000e+00> : vector<64x128xf32>
    %dot_general3A_24 = tpu.matmul %get3A_8, %slice3A_22, %dot_general3A_23 {dimension_numbers = #tpu.dot_dimension_numbers<[1], [0], [0], [1], [0, 0, 1, 1], [], []>, transpose_lhs_hint = false} : vector<64x768xf32>, vector<768x128xf32>, vector<64x128xf32> -> vector<64x128xf32>
    %add3A_25 = arith.addf %dot_general3A_21, %dot_general3A_24 : vector<64x128xf32>
    %get3A_26 = arith.constant 0 : index
    %get3A_27 = arith.constant 0 : index
    %get3A_28 = arith.constant 0 : index
    %get3A_29 = arith.constant 0 : index
    %get3A_30 = vector.load %arg3[%get3A_26, %get3A_27, %get3A_28, %get3A_29] : memref<1x64x32x128xf32, #tpu.memory_space<vmem>>, vector<1x64x32x128xf32>
    %get3A_31 = vector.shape_cast %get3A_30 : vector<1x64x32x128xf32> to vector<64x32x128xf32>
    %get3A_32 = arith.constant 0 : index
    %get3A_33 = arith.constant 0 : index
    %get3A_34 = arith.constant 0 : index
    %get3A_35 = arith.constant 0 : index
    %get3A_36 = vector.load %arg4[%get3A_32, %get3A_33, %get3A_34, %get3A_35] : memref<1x64x32x128xf32, #tpu.memory_space<vmem>>, vector<1x64x32x128xf32>
    %get3A_37 = vector.shape_cast %get3A_36 : vector<1x64x32x128xf32> to vector<64x32x128xf32>
    %broadcast_in_dim3A = vector.shape_cast %add3A : vector<64x128xf32> to vector<64x1x128xf32>
    %mul3A = vector.broadcast %broadcast_in_dim3A : vector<64x1x128xf32> to vector<64x32x128xf32>
    %mul3A_38 = arith.mulf %mul3A, %get3A_31 : vector<64x32x128xf32>
    %reduce_sum3A = arith.constant dense<0.000000e+00> : vector<64x32xf32>
    %reduce_sum3A_39 = vector.multi_reduction <add>, %mul3A_38, %reduce_sum3A [2] : vector<64x32x128xf32> to vector<64x32xf32>
    %broadcast_in_dim3A_40 = vector.shape_cast %add3A : vector<64x128xf32> to vector<64x1x128xf32>
    %mul3A_41 = vector.broadcast %broadcast_in_dim3A_40 : vector<64x1x128xf32> to vector<64x32x128xf32>
    %mul3A_42 = arith.mulf %mul3A_41, %get3A_37 : vector<64x32x128xf32>
    %reduce_sum3A_43 = arith.constant dense<0.000000e+00> : vector<64x32xf32>
    %reduce_sum3A_44 = vector.multi_reduction <add>, %mul3A_42, %reduce_sum3A_43 [2] : vector<64x32x128xf32> to vector<64x32xf32>
    %concatenate3A = tpu.concatenate %reduce_sum3A_39, %reduce_sum3A_44 in 1 : vector<64x32xf32>, vector<64x32xf32> -> vector<64x64xf32>
    %get3A_45 = arith.constant 0 : index
    %get3A_46 = arith.constant 0 : index
    %get3A_47 = arith.constant 0 : index
    %get3A_48 = vector.load %arg5[%get3A_45, %get3A_46, %get3A_47] : memref<1x64x32xi32, #tpu.memory_space<vmem>>, vector<1x64x32xi32>
    %get3A_49 = vector.shape_cast %get3A_48 : vector<1x64x32xi32> to vector<64x32xi32>
    %get3A_50 = arith.constant 0 : index
    %get3A_51 = arith.constant 0 : index
    %get3A_52 = arith.constant 0 : index
    %get3A_53 = vector.load %arg6[%get3A_50, %get3A_51, %get3A_52] : memref<1x64x32xi32, #tpu.memory_space<vmem>>, vector<1x64x32xi32>
    %get3A_54 = vector.shape_cast %get3A_53 : vector<1x64x32xi32> to vector<64x32xi32>
    %concatenate3A_55 = tpu.concatenate %get3A_49, %get3A_54 in 1 : vector<64x32xi32>, vector<64x32xi32> -> vector<64x64xi32>
    %eq3A = arith.constant 0 : i32
    %eq3A_56 = vector.broadcast %eq3A : i32 to vector<64x64xi32>
    %eq3A_57 = arith.cmpi eq, %concatenate3A_55, %eq3A_56 : vector<64x64xi32>
    %jit3A = arith.constant -1.000000e+09 : f32
    %broadcast_in_dim3A_58 = vector.broadcast %jit3A : f32 to vector<64x64xf32>
    %select_n3A = arith.select %eq3A_57, %broadcast_in_dim3A_58, %concatenate3A : vector<64x64xi1>, vector<64x64xf32>
    %broadcast_in_dim3A_59 = arith.constant -1.000000e+09 : f32
    %broadcast_in_dim3A_60 = vector.broadcast %broadcast_in_dim3A_59 : f32 to vector<64x1xf32>
    %broadcast_in_dim3A_61 = arith.constant 0 : i32
    %broadcast_in_dim3A_62 = vector.broadcast %broadcast_in_dim3A_61 : i32 to vector<64x1xi32>
    %broadcast_in_dim3A_63 = arith.constant false
    %broadcast_in_dim3A_64 = vector.broadcast %broadcast_in_dim3A_63 : i1 to vector<64x1xi1>
    %reduce_max3A = arith.constant dense<0xFF800000> : vector<64xf32>
    %reduce_max3A_65 = vector.multi_reduction <maximumf>, %select_n3A, %reduce_max3A [1] : vector<64x64xf32> to vector<64xf32>
    %broadcast_in_dim3A_66 = vector.shape_cast %reduce_max3A_65 : vector<64xf32> to vector<64x1xf32>
    %eq3A_67 = vector.broadcast %broadcast_in_dim3A_66 : vector<64x1xf32> to vector<64x64xf32>
    %eq3A_68 = arith.cmpf oeq, %select_n3A, %eq3A_67 : vector<64x64xf32>
    %convert_element_type3A = arith.extui %eq3A_68 : vector<64x64xi1> to vector<64x64xi32>
    %reduce_sum3A_69 = arith.constant dense<0> : vector<64xi32>
    %reduce_sum3A_70 = vector.multi_reduction <add>, %convert_element_type3A, %reduce_sum3A_69 [1] : vector<64x64xi32> to vector<64xi32>
    %broadcast_in_dim3A_71 = vector.shape_cast %reduce_sum3A_70 : vector<64xi32> to vector<64x1xi32>
    %add3A_72 = arith.addi %broadcast_in_dim3A_62, %broadcast_in_dim3A_71 : vector<64x1xi32>
    %select_n3A_73 = arith.select %broadcast_in_dim3A_64, %broadcast_in_dim3A_60, %broadcast_in_dim3A_66 : vector<64x1xi1>, vector<64x1xf32>
    %not3A = arith.constant dense<true> : vector<64x1xi1>
    %not3A_74 = arith.xori %broadcast_in_dim3A_64, %not3A : vector<64x1xi1>
    %eq3A_75 = vector.broadcast %broadcast_in_dim3A_66 : vector<64x1xf32> to vector<64x64xf32>
    %eq3A_76 = arith.cmpf oeq, %select_n3A, %eq3A_75 : vector<64x64xf32>
    %and3A = vector.broadcast %not3A_74 : vector<64x1xi1> to vector<64x64xi1>
    %and3A_77 = arith.andi %and3A, %eq3A_76 : vector<64x64xi1>
    %jit3A_78 = arith.constant 0xFF800000 : f32
    %broadcast_in_dim3A_79 = vector.broadcast %jit3A_78 : f32 to vector<64x64xf32>
    %select_n3A_80 = arith.select %and3A_77, %broadcast_in_dim3A_79, %select_n3A : vector<64x64xi1>, vector<64x64xf32>
    %select_n3A_81 = arith.select %broadcast_in_dim3A_64, %broadcast_in_dim3A_62, %add3A_72 : vector<64x1xi1>, vector<64x1xi32>
    %ge3A = arith.constant 10 : i32
    %ge3A_82 = vector.broadcast %ge3A : i32 to vector<64x1xi32>
    %ge3A_83 = arith.cmpi sge, %add3A_72, %ge3A_82 : vector<64x1xi32>
    %or3A = arith.ori %broadcast_in_dim3A_64, %ge3A_83 : vector<64x1xi1>
    %reduce_max3A_84 = arith.constant dense<0xFF800000> : vector<64xf32>
    %reduce_max3A_85 = vector.multi_reduction <maximumf>, %select_n3A_80, %reduce_max3A_84 [1] : vector<64x64xf32> to vector<64xf32>
    %broadcast_in_dim3A_86 = vector.shape_cast %reduce_max3A_85 : vector<64xf32> to vector<64x1xf32>
    %eq3A_87 = vector.broadcast %broadcast_in_dim3A_86 : vector<64x1xf32> to vector<64x64xf32>
    %eq3A_88 = arith.cmpf oeq, %select_n3A_80, %eq3A_87 : vector<64x64xf32>
    %convert_element_type3A_89 = arith.extui %eq3A_88 : vector<64x64xi1> to vector<64x64xi32>
    %reduce_sum3A_90 = arith.constant dense<0> : vector<64xi32>
    %reduce_sum3A_91 = vector.multi_reduction <add>, %convert_element_type3A_89, %reduce_sum3A_90 [1] : vector<64x64xi32> to vector<64xi32>
    %broadcast_in_dim3A_92 = vector.shape_cast %reduce_sum3A_91 : vector<64xi32> to vector<64x1xi32>
    %add3A_93 = arith.addi %select_n3A_81, %broadcast_in_dim3A_92 : vector<64x1xi32>
    %select_n3A_94 = arith.select %or3A, %select_n3A_73, %broadcast_in_dim3A_86 : vector<64x1xi1>, vector<64x1xf32>
    %not3A_95 = arith.constant dense<true> : vector<64x1xi1>
    %not3A_96 = arith.xori %or3A, %not3A_95 : vector<64x1xi1>
    %eq3A_97 = vector.broadcast %broadcast_in_dim3A_86 : vector<64x1xf32> to vector<64x64xf32>
    %eq3A_98 = arith.cmpf oeq, %select_n3A_80, %eq3A_97 : vector<64x64xf32>
    %and3A_99 = vector.broadcast %not3A_96 : vector<64x1xi1> to vector<64x64xi1>
    %and3A_100 = arith.andi %and3A_99, %eq3A_98 : vector<64x64xi1>
    %jit3A_101 = arith.constant 0xFF800000 : f32
    %broadcast_in_dim3A_102 = vector.broadcast %jit3A_101 : f32 to vector<64x64xf32>
    %select_n3A_103 = arith.select %and3A_100, %broadcast_in_dim3A_102, %select_n3A_80 : vector<64x64xi1>, vector<64x64xf32>
    %select_n3A_104 = arith.select %or3A, %select_n3A_81, %add3A_93 : vector<64x1xi1>, vector<64x1xi32>
    %ge3A_105 = arith.constant 10 : i32
    %ge3A_106 = vector.broadcast %ge3A_105 : i32 to vector<64x1xi32>
    %ge3A_107 = arith.cmpi sge, %add3A_93, %ge3A_106 : vector<64x1xi32>
    %or3A_108 = arith.ori %or3A, %ge3A_107 : vector<64x1xi1>
    %reduce_max3A_109 = arith.constant dense<0xFF800000> : vector<64xf32>
    %reduce_max3A_110 = vector.multi_reduction <maximumf>, %select_n3A_103, %reduce_max3A_109 [1] : vector<64x64xf32> to vector<64xf32>
    %broadcast_in_dim3A_111 = vector.shape_cast %reduce_max3A_110 : vector<64xf32> to vector<64x1xf32>
    %eq3A_112 = vector.broadcast %broadcast_in_dim3A_111 : vector<64x1xf32> to vector<64x64xf32>
    %eq3A_113 = arith.cmpf oeq, %select_n3A_103, %eq3A_112 : vector<64x64xf32>
    %convert_element_type3A_114 = arith.extui %eq3A_113 : vector<64x64xi1> to vector<64x64xi32>
    %reduce_sum3A_115 = arith.constant dense<0> : vector<64xi32>
    %reduce_sum3A_116 = vector.multi_reduction <add>, %convert_element_type3A_114, %reduce_sum3A_115 [1] : vector<64x64xi32> to vector<64xi32>
    %broadcast_in_dim3A_117 = vector.shape_cast %reduce_sum3A_116 : vector<64xi32> to vector<64x1xi32>
    %add3A_118 = arith.addi %select_n3A_104, %broadcast_in_dim3A_117 : vector<64x1xi32>
    %select_n3A_119 = arith.select %or3A_108, %select_n3A_94, %broadcast_in_dim3A_111 : vector<64x1xi1>, vector<64x1xf32>
    %not3A_120 = arith.constant dense<true> : vector<64x1xi1>
    %not3A_121 = arith.xori %or3A_108, %not3A_120 : vector<64x1xi1>
    %eq3A_122 = vector.broadcast %broadcast_in_dim3A_111 : vector<64x1xf32> to vector<64x64xf32>
    %eq3A_123 = arith.cmpf oeq, %select_n3A_103, %eq3A_122 : vector<64x64xf32>
    %and3A_124 = vector.broadcast %not3A_121 : vector<64x1xi1> to vector<64x64xi1>
    %and3A_125 = arith.andi %and3A_124, %eq3A_123 : vector<64x64xi1>
    %jit3A_126 = arith.constant 0xFF800000 : f32
    %broadcast_in_dim3A_127 = vector.broadcast %jit3A_126 : f32 to vector<64x64xf32>
    %select_n3A_128 = arith.select %and3A_125, %broadcast_in_dim3A_127, %select_n3A_103 : vector<64x64xi1>, vector<64x64xf32>
    %select_n3A_129 = arith.select %or3A_108, %select_n3A_104, %add3A_118 : vector<64x1xi1>, vector<64x1xi32>
    %ge3A_130 = arith.constant 10 : i32
    %ge3A_131 = vector.broadcast %ge3A_130 : i32 to vector<64x1xi32>
    %ge3A_132 = arith.cmpi sge, %add3A_118, %ge3A_131 : vector<64x1xi32>
    %or3A_133 = arith.ori %or3A_108, %ge3A_132 : vector<64x1xi1>
    %reduce_max3A_134 = arith.constant dense<0xFF800000> : vector<64xf32>
    %reduce_max3A_135 = vector.multi_reduction <maximumf>, %select_n3A_128, %reduce_max3A_134 [1] : vector<64x64xf32> to vector<64xf32>
    %broadcast_in_dim3A_136 = vector.shape_cast %reduce_max3A_135 : vector<64xf32> to vector<64x1xf32>
    %eq3A_137 = vector.broadcast %broadcast_in_dim3A_136 : vector<64x1xf32> to vector<64x64xf32>
    %eq3A_138 = arith.cmpf oeq, %select_n3A_128, %eq3A_137 : vector<64x64xf32>
    %convert_element_type3A_139 = arith.extui %eq3A_138 : vector<64x64xi1> to vector<64x64xi32>
    %reduce_sum3A_140 = arith.constant dense<0> : vector<64xi32>
    %reduce_sum3A_141 = vector.multi_reduction <add>, %convert_element_type3A_139, %reduce_sum3A_140 [1] : vector<64x64xi32> to vector<64xi32>
    %broadcast_in_dim3A_142 = vector.shape_cast %reduce_sum3A_141 : vector<64xi32> to vector<64x1xi32>
    %add3A_143 = arith.addi %select_n3A_129, %broadcast_in_dim3A_142 : vector<64x1xi32>
    %select_n3A_144 = arith.select %or3A_133, %select_n3A_119, %broadcast_in_dim3A_136 : vector<64x1xi1>, vector<64x1xf32>
    %not3A_145 = arith.constant dense<true> : vector<64x1xi1>
    %not3A_146 = arith.xori %or3A_133, %not3A_145 : vector<64x1xi1>
    %eq3A_147 = vector.broadcast %broadcast_in_dim3A_136 : vector<64x1xf32> to vector<64x64xf32>
    %eq3A_148 = arith.cmpf oeq, %select_n3A_128, %eq3A_147 : vector<64x64xf32>
    %and3A_149 = vector.broadcast %not3A_146 : vector<64x1xi1> to vector<64x64xi1>
    %and3A_150 = arith.andi %and3A_149, %eq3A_148 : vector<64x64xi1>
    %jit3A_151 = arith.constant 0xFF800000 : f32
    %broadcast_in_dim3A_152 = vector.broadcast %jit3A_151 : f32 to vector<64x64xf32>
    %select_n3A_153 = arith.select %and3A_150, %broadcast_in_dim3A_152, %select_n3A_128 : vector<64x64xi1>, vector<64x64xf32>
    %select_n3A_154 = arith.select %or3A_133, %select_n3A_129, %add3A_143 : vector<64x1xi1>, vector<64x1xi32>
    %ge3A_155 = arith.constant 10 : i32
    %ge3A_156 = vector.broadcast %ge3A_155 : i32 to vector<64x1xi32>
    %ge3A_157 = arith.cmpi sge, %add3A_143, %ge3A_156 : vector<64x1xi32>
    %or3A_158 = arith.ori %or3A_133, %ge3A_157 : vector<64x1xi1>
    %reduce_max3A_159 = arith.constant dense<0xFF800000> : vector<64xf32>
    %reduce_max3A_160 = vector.multi_reduction <maximumf>, %select_n3A_153, %reduce_max3A_159 [1] : vector<64x64xf32> to vector<64xf32>
    %broadcast_in_dim3A_161 = vector.shape_cast %reduce_max3A_160 : vector<64xf32> to vector<64x1xf32>
    %eq3A_162 = vector.broadcast %broadcast_in_dim3A_161 : vector<64x1xf32> to vector<64x64xf32>
    %eq3A_163 = arith.cmpf oeq, %select_n3A_153, %eq3A_162 : vector<64x64xf32>
    %convert_element_type3A_164 = arith.extui %eq3A_163 : vector<64x64xi1> to vector<64x64xi32>
    %reduce_sum3A_165 = arith.constant dense<0> : vector<64xi32>
    %reduce_sum3A_166 = vector.multi_reduction <add>, %convert_element_type3A_164, %reduce_sum3A_165 [1] : vector<64x64xi32> to vector<64xi32>
    %broadcast_in_dim3A_167 = vector.shape_cast %reduce_sum3A_166 : vector<64xi32> to vector<64x1xi32>
    %add3A_168 = arith.addi %select_n3A_154, %broadcast_in_dim3A_167 : vector<64x1xi32>
    %select_n3A_169 = arith.select %or3A_158, %select_n3A_144, %broadcast_in_dim3A_161 : vector<64x1xi1>, vector<64x1xf32>
    %not3A_170 = arith.constant dense<true> : vector<64x1xi1>
    %not3A_171 = arith.xori %or3A_158, %not3A_170 : vector<64x1xi1>
    %eq3A_172 = vector.broadcast %broadcast_in_dim3A_161 : vector<64x1xf32> to vector<64x64xf32>
    %eq3A_173 = arith.cmpf oeq, %select_n3A_153, %eq3A_172 : vector<64x64xf32>
    %and3A_174 = vector.broadcast %not3A_171 : vector<64x1xi1> to vector<64x64xi1>
    %and3A_175 = arith.andi %and3A_174, %eq3A_173 : vector<64x64xi1>
    %jit3A_176 = arith.constant 0xFF800000 : f32
    %broadcast_in_dim3A_177 = vector.broadcast %jit3A_176 : f32 to vector<64x64xf32>
    %select_n3A_178 = arith.select %and3A_175, %broadcast_in_dim3A_177, %select_n3A_153 : vector<64x64xi1>, vector<64x64xf32>
    %select_n3A_179 = arith.select %or3A_158, %select_n3A_154, %add3A_168 : vector<64x1xi1>, vector<64x1xi32>
    %ge3A_180 = arith.constant 10 : i32
    %ge3A_181 = vector.broadcast %ge3A_180 : i32 to vector<64x1xi32>
    %ge3A_182 = arith.cmpi sge, %add3A_168, %ge3A_181 : vector<64x1xi32>
    %or3A_183 = arith.ori %or3A_158, %ge3A_182 : vector<64x1xi1>
    %reduce_max3A_184 = arith.constant dense<0xFF800000> : vector<64xf32>
    %reduce_max3A_185 = vector.multi_reduction <maximumf>, %select_n3A_178, %reduce_max3A_184 [1] : vector<64x64xf32> to vector<64xf32>
    %broadcast_in_dim3A_186 = vector.shape_cast %reduce_max3A_185 : vector<64xf32> to vector<64x1xf32>
    %eq3A_187 = vector.broadcast %broadcast_in_dim3A_186 : vector<64x1xf32> to vector<64x64xf32>
    %eq3A_188 = arith.cmpf oeq, %select_n3A_178, %eq3A_187 : vector<64x64xf32>
    %convert_element_type3A_189 = arith.extui %eq3A_188 : vector<64x64xi1> to vector<64x64xi32>
    %reduce_sum3A_190 = arith.constant dense<0> : vector<64xi32>
    %reduce_sum3A_191 = vector.multi_reduction <add>, %convert_element_type3A_189, %reduce_sum3A_190 [1] : vector<64x64xi32> to vector<64xi32>
    %broadcast_in_dim3A_192 = vector.shape_cast %reduce_sum3A_191 : vector<64xi32> to vector<64x1xi32>
    %add3A_193 = arith.addi %select_n3A_179, %broadcast_in_dim3A_192 : vector<64x1xi32>
    %select_n3A_194 = arith.select %or3A_183, %select_n3A_169, %broadcast_in_dim3A_186 : vector<64x1xi1>, vector<64x1xf32>
    %not3A_195 = arith.constant dense<true> : vector<64x1xi1>
    %not3A_196 = arith.xori %or3A_183, %not3A_195 : vector<64x1xi1>
    %eq3A_197 = vector.broadcast %broadcast_in_dim3A_186 : vector<64x1xf32> to vector<64x64xf32>
    %eq3A_198 = arith.cmpf oeq, %select_n3A_178, %eq3A_197 : vector<64x64xf32>
    %and3A_199 = vector.broadcast %not3A_196 : vector<64x1xi1> to vector<64x64xi1>
    %and3A_200 = arith.andi %and3A_199, %eq3A_198 : vector<64x64xi1>
    %jit3A_201 = arith.constant 0xFF800000 : f32
    %broadcast_in_dim3A_202 = vector.broadcast %jit3A_201 : f32 to vector<64x64xf32>
    %select_n3A_203 = arith.select %and3A_200, %broadcast_in_dim3A_202, %select_n3A_178 : vector<64x64xi1>, vector<64x64xf32>
    %select_n3A_204 = arith.select %or3A_183, %select_n3A_179, %add3A_193 : vector<64x1xi1>, vector<64x1xi32>
    %ge3A_205 = arith.constant 10 : i32
    %ge3A_206 = vector.broadcast %ge3A_205 : i32 to vector<64x1xi32>
    %ge3A_207 = arith.cmpi sge, %add3A_193, %ge3A_206 : vector<64x1xi32>
    %or3A_208 = arith.ori %or3A_183, %ge3A_207 : vector<64x1xi1>
    %reduce_max3A_209 = arith.constant dense<0xFF800000> : vector<64xf32>
    %reduce_max3A_210 = vector.multi_reduction <maximumf>, %select_n3A_203, %reduce_max3A_209 [1] : vector<64x64xf32> to vector<64xf32>
    %broadcast_in_dim3A_211 = vector.shape_cast %reduce_max3A_210 : vector<64xf32> to vector<64x1xf32>
    %eq3A_212 = vector.broadcast %broadcast_in_dim3A_211 : vector<64x1xf32> to vector<64x64xf32>
    %eq3A_213 = arith.cmpf oeq, %select_n3A_203, %eq3A_212 : vector<64x64xf32>
    %convert_element_type3A_214 = arith.extui %eq3A_213 : vector<64x64xi1> to vector<64x64xi32>
    %reduce_sum3A_215 = arith.constant dense<0> : vector<64xi32>
    %reduce_sum3A_216 = vector.multi_reduction <add>, %convert_element_type3A_214, %reduce_sum3A_215 [1] : vector<64x64xi32> to vector<64xi32>
    %broadcast_in_dim3A_217 = vector.shape_cast %reduce_sum3A_216 : vector<64xi32> to vector<64x1xi32>
    %add3A_218 = arith.addi %select_n3A_204, %broadcast_in_dim3A_217 : vector<64x1xi32>
    %select_n3A_219 = arith.select %or3A_208, %select_n3A_194, %broadcast_in_dim3A_211 : vector<64x1xi1>, vector<64x1xf32>
    %not3A_220 = arith.constant dense<true> : vector<64x1xi1>
    %not3A_221 = arith.xori %or3A_208, %not3A_220 : vector<64x1xi1>
    %eq3A_222 = vector.broadcast %broadcast_in_dim3A_211 : vector<64x1xf32> to vector<64x64xf32>
    %eq3A_223 = arith.cmpf oeq, %select_n3A_203, %eq3A_222 : vector<64x64xf32>
    %and3A_224 = vector.broadcast %not3A_221 : vector<64x1xi1> to vector<64x64xi1>
    %and3A_225 = arith.andi %and3A_224, %eq3A_223 : vector<64x64xi1>
    %jit3A_226 = arith.constant 0xFF800000 : f32
    %broadcast_in_dim3A_227 = vector.broadcast %jit3A_226 : f32 to vector<64x64xf32>
    %select_n3A_228 = arith.select %and3A_225, %broadcast_in_dim3A_227, %select_n3A_203 : vector<64x64xi1>, vector<64x64xf32>
    %select_n3A_229 = arith.select %or3A_208, %select_n3A_204, %add3A_218 : vector<64x1xi1>, vector<64x1xi32>
    %ge3A_230 = arith.constant 10 : i32
    %ge3A_231 = vector.broadcast %ge3A_230 : i32 to vector<64x1xi32>
    %ge3A_232 = arith.cmpi sge, %add3A_218, %ge3A_231 : vector<64x1xi32>
    %or3A_233 = arith.ori %or3A_208, %ge3A_232 : vector<64x1xi1>
    %reduce_max3A_234 = arith.constant dense<0xFF800000> : vector<64xf32>
    %reduce_max3A_235 = vector.multi_reduction <maximumf>, %select_n3A_228, %reduce_max3A_234 [1] : vector<64x64xf32> to vector<64xf32>
    %broadcast_in_dim3A_236 = vector.shape_cast %reduce_max3A_235 : vector<64xf32> to vector<64x1xf32>
    %eq3A_237 = vector.broadcast %broadcast_in_dim3A_236 : vector<64x1xf32> to vector<64x64xf32>
    %eq3A_238 = arith.cmpf oeq, %select_n3A_228, %eq3A_237 : vector<64x64xf32>
    %convert_element_type3A_239 = arith.extui %eq3A_238 : vector<64x64xi1> to vector<64x64xi32>
    %reduce_sum3A_240 = arith.constant dense<0> : vector<64xi32>
    %reduce_sum3A_241 = vector.multi_reduction <add>, %convert_element_type3A_239, %reduce_sum3A_240 [1] : vector<64x64xi32> to vector<64xi32>
    %broadcast_in_dim3A_242 = vector.shape_cast %reduce_sum3A_241 : vector<64xi32> to vector<64x1xi32>
    %add3A_243 = arith.addi %select_n3A_229, %broadcast_in_dim3A_242 : vector<64x1xi32>
    %select_n3A_244 = arith.select %or3A_233, %select_n3A_219, %broadcast_in_dim3A_236 : vector<64x1xi1>, vector<64x1xf32>
    %not3A_245 = arith.constant dense<true> : vector<64x1xi1>
    %not3A_246 = arith.xori %or3A_233, %not3A_245 : vector<64x1xi1>
    %eq3A_247 = vector.broadcast %broadcast_in_dim3A_236 : vector<64x1xf32> to vector<64x64xf32>
    %eq3A_248 = arith.cmpf oeq, %select_n3A_228, %eq3A_247 : vector<64x64xf32>
    %and3A_249 = vector.broadcast %not3A_246 : vector<64x1xi1> to vector<64x64xi1>
    %and3A_250 = arith.andi %and3A_249, %eq3A_248 : vector<64x64xi1>
    %jit3A_251 = arith.constant 0xFF800000 : f32
    %broadcast_in_dim3A_252 = vector.broadcast %jit3A_251 : f32 to vector<64x64xf32>
    %select_n3A_253 = arith.select %and3A_250, %broadcast_in_dim3A_252, %select_n3A_228 : vector<64x64xi1>, vector<64x64xf32>
    %select_n3A_254 = arith.select %or3A_233, %select_n3A_229, %add3A_243 : vector<64x1xi1>, vector<64x1xi32>
    %ge3A_255 = arith.constant 10 : i32
    %ge3A_256 = vector.broadcast %ge3A_255 : i32 to vector<64x1xi32>
    %ge3A_257 = arith.cmpi sge, %add3A_243, %ge3A_256 : vector<64x1xi32>
    %or3A_258 = arith.ori %or3A_233, %ge3A_257 : vector<64x1xi1>
    %reduce_max3A_259 = arith.constant dense<0xFF800000> : vector<64xf32>
    %reduce_max3A_260 = vector.multi_reduction <maximumf>, %select_n3A_253, %reduce_max3A_259 [1] : vector<64x64xf32> to vector<64xf32>
    %broadcast_in_dim3A_261 = vector.shape_cast %reduce_max3A_260 : vector<64xf32> to vector<64x1xf32>
    %eq3A_262 = vector.broadcast %broadcast_in_dim3A_261 : vector<64x1xf32> to vector<64x64xf32>
    %eq3A_263 = arith.cmpf oeq, %select_n3A_253, %eq3A_262 : vector<64x64xf32>
    %convert_element_type3A_264 = arith.extui %eq3A_263 : vector<64x64xi1> to vector<64x64xi32>
    %reduce_sum3A_265 = arith.constant dense<0> : vector<64xi32>
    %reduce_sum3A_266 = vector.multi_reduction <add>, %convert_element_type3A_264, %reduce_sum3A_265 [1] : vector<64x64xi32> to vector<64xi32>
    %broadcast_in_dim3A_267 = vector.shape_cast %reduce_sum3A_266 : vector<64xi32> to vector<64x1xi32>
    %add3A_268 = arith.addi %select_n3A_254, %broadcast_in_dim3A_267 : vector<64x1xi32>
    %select_n3A_269 = arith.select %or3A_258, %select_n3A_244, %broadcast_in_dim3A_261 : vector<64x1xi1>, vector<64x1xf32>
    %not3A_270 = arith.constant dense<true> : vector<64x1xi1>
    %not3A_271 = arith.xori %or3A_258, %not3A_270 : vector<64x1xi1>
    %eq3A_272 = vector.broadcast %broadcast_in_dim3A_261 : vector<64x1xf32> to vector<64x64xf32>
    %eq3A_273 = arith.cmpf oeq, %select_n3A_253, %eq3A_272 : vector<64x64xf32>
    %and3A_274 = vector.broadcast %not3A_271 : vector<64x1xi1> to vector<64x64xi1>
    %and3A_275 = arith.andi %and3A_274, %eq3A_273 : vector<64x64xi1>
    %jit3A_276 = arith.constant 0xFF800000 : f32
    %broadcast_in_dim3A_277 = vector.broadcast %jit3A_276 : f32 to vector<64x64xf32>
    %select_n3A_278 = arith.select %and3A_275, %broadcast_in_dim3A_277, %select_n3A_253 : vector<64x64xi1>, vector<64x64xf32>
    %ge3A_279 = arith.constant 10 : i32
    %ge3A_280 = vector.broadcast %ge3A_279 : i32 to vector<64x1xi32>
    %ge3A_281 = arith.cmpi sge, %add3A_268, %ge3A_280 : vector<64x1xi32>
    %or3A_282 = arith.ori %or3A_258, %ge3A_281 : vector<64x1xi1>
    %reduce_max3A_283 = arith.constant dense<0xFF800000> : vector<64xf32>
    %reduce_max3A_284 = vector.multi_reduction <maximumf>, %select_n3A_278, %reduce_max3A_283 [1] : vector<64x64xf32> to vector<64xf32>
    %broadcast_in_dim3A_285 = vector.shape_cast %reduce_max3A_284 : vector<64xf32> to vector<64x1xf32>
    %select_n3A_286 = arith.select %or3A_282, %select_n3A_269, %broadcast_in_dim3A_285 : vector<64x1xi1>, vector<64x1xf32>
    %lt3A = vector.broadcast %select_n3A_286 : vector<64x1xf32> to vector<64x64xf32>
    %lt3A_287 = arith.cmpf olt, %select_n3A, %lt3A : vector<64x64xf32>
    %jit3A_288 = arith.constant -1.000000e+09 : f32
    %broadcast_in_dim3A_289 = vector.broadcast %jit3A_288 : f32 to vector<64x64xf32>
    %select_n3A_290 = arith.select %lt3A_287, %broadcast_in_dim3A_289, %select_n3A : vector<64x64xi1>, vector<64x64xf32>
    %reduce_max3A_291 = arith.constant dense<0xFF800000> : vector<64xf32>
    %reduce_max3A_292 = vector.multi_reduction <maximumf>, %select_n3A_290, %reduce_max3A_291 [1] : vector<64x64xf32> to vector<64xf32>
    %broadcast_in_dim3A_293 = vector.shape_cast %reduce_max3A_292 : vector<64xf32> to vector<64x1xf32>
    %sub3A = vector.broadcast %broadcast_in_dim3A_293 : vector<64x1xf32> to vector<64x64xf32>
    %sub3A_294 = arith.subf %select_n3A_290, %sub3A : vector<64x64xf32>
    %exp3A = math.exp %sub3A_294 : vector<64x64xf32>
    %reduce_sum3A_295 = arith.constant dense<0.000000e+00> : vector<64xf32>
    %reduce_sum3A_296 = vector.multi_reduction <add>, %exp3A, %reduce_sum3A_295 [1] : vector<64x64xf32> to vector<64xf32>
    %broadcast_in_dim3A_297 = vector.shape_cast %reduce_sum3A_296 : vector<64xf32> to vector<64x1xf32>
    %div3A = vector.broadcast %broadcast_in_dim3A_297 : vector<64x1xf32> to vector<64x64xf32>
    %div3A_298 = arith.divf %exp3A, %div3A : vector<64x64xf32>
    %slice3A_299 = vector.extract_strided_slice %div3A_298 {offsets = [0, 0], sizes = [64, 32], strides = [1, 1]} : vector<64x64xf32> to vector<64x32xf32>
    %broadcast_in_dim3A_300 = vector.shape_cast %slice3A_299 : vector<64x32xf32> to vector<64x32x1xf32>
    %mul3A_301 = vector.broadcast %broadcast_in_dim3A_300 : vector<64x32x1xf32> to vector<64x32x128xf32>
    %mul3A_302 = arith.mulf %mul3A_301, %get3A_31 : vector<64x32x128xf32>
    %reduce_sum3A_303 = arith.constant dense<0.000000e+00> : vector<64x128xf32>
    %reduce_sum3A_304 = vector.multi_reduction <add>, %mul3A_302, %reduce_sum3A_303 [1] : vector<64x32x128xf32> to vector<64x128xf32>
    %slice3A_305 = vector.extract_strided_slice %div3A_298 {offsets = [0, 32], sizes = [64, 32], strides = [1, 1]} : vector<64x64xf32> to vector<64x32xf32>
    %broadcast_in_dim3A_306 = vector.shape_cast %slice3A_305 : vector<64x32xf32> to vector<64x32x1xf32>
    %mul3A_307 = vector.broadcast %broadcast_in_dim3A_306 : vector<64x32x1xf32> to vector<64x32x128xf32>
    %mul3A_308 = arith.mulf %mul3A_307, %get3A_37 : vector<64x32x128xf32>
    %reduce_sum3A_309 = arith.constant dense<0.000000e+00> : vector<64x128xf32>
    %reduce_sum3A_310 = vector.multi_reduction <add>, %mul3A_308, %reduce_sum3A_309 [1] : vector<64x32x128xf32> to vector<64x128xf32>
    %add3A_311 = arith.addf %reduce_sum3A_304, %reduce_sum3A_310 : vector<64x128xf32>
    %get3A_312 = arith.constant 0 : index
    %get3A_313 = arith.constant 0 : index
    %get3A_314 = arith.constant 0 : index
    %get3A_315 = vector.load %arg8[%get3A_312, %get3A_313, %get3A_314] : memref<1x64x1xi32, #tpu.memory_space<vmem>>, vector<1x64x1xi32>
    %get3A_316 = vector.shape_cast %get3A_315 : vector<1x64x1xi32> to vector<64x1xi32>
    %get3A_317 = arith.constant 0 : index
    %get3A_318 = arith.constant 0 : index
    %get3A_319 = vector.load %arg13[%get3A_317, %get3A_318] : memref<64x128xf32, #tpu.memory_space<vmem>>, vector<64x128xf32>
    %eq3A_320 = arith.constant 0 : i32
    %eq3A_321 = vector.broadcast %eq3A_320 : i32 to vector<64x1xi32>
    %eq3A_322 = arith.cmpi eq, %get3A_316, %eq3A_321 : vector<64x1xi32>
    %jit3A_323 = arith.constant 0.000000e+00 : f32
    %broadcast_in_dim3A_324 = vector.shape_cast %eq3A_322 : vector<64x1xi1> to vector<64x1xi1>
    %broadcast_in_dim3A_325 = vector.broadcast %broadcast_in_dim3A_324 : vector<64x1xi1> to vector<64x128xi1>
    %broadcast_in_dim3A_326 = vector.broadcast %jit3A_323 : f32 to vector<64x128xf32>
    %select_n3A_327 = arith.select %broadcast_in_dim3A_325, %broadcast_in_dim3A_326, %get3A_319 : vector<64x128xi1>, vector<64x128xf32>
    %add3A_328 = arith.addf %add3A_311, %select_n3A_327 : vector<64x128xf32>
    %get3A_329 = arith.constant 0 : index
    %get3A_330 = arith.constant 0 : index
    %get3A_331 = arith.constant 0 : index
    %get3A_332 = vector.load %arg7[%get3A_329, %get3A_330, %get3A_331] : memref<1x1x64xi32, #tpu.memory_space<vmem>>, vector<1x1x64xi32>
    %get3A_333 = vector.shape_cast %get3A_332 : vector<1x1x64xi32> to vector<1x64xi32>
    %dot_general3A_334 = arith.constant dense<0.000000e+00> : vector<64x64xf32>
    %dot_general3A_335 = tpu.matmul %add3A_25, %add3A_328, %dot_general3A_334 {dimension_numbers = #tpu.dot_dimension_numbers<[1], [1], [0], [0], [0, 0, 1, 0], [], []>, transpose_lhs_hint = false} : vector<64x128xf32>, vector<64x128xf32>, vector<64x64xf32> -> vector<64x64xf32>
    %eq3A_336 = arith.constant 0 : i32
    %eq3A_337 = vector.broadcast %eq3A_336 : i32 to vector<1x64xi32>
    %eq3A_338 = arith.cmpi eq, %get3A_333, %eq3A_337 : vector<1x64xi32>
    %jit3A_339 = arith.constant -1.000000e+09 : f32
    %broadcast_in_dim3A_340 = vector.shape_cast %eq3A_338 : vector<1x64xi1> to vector<1x64xi1>
    %broadcast_in_dim3A_341 = vector.broadcast %broadcast_in_dim3A_340 : vector<1x64xi1> to vector<64x64xi1>
    %broadcast_in_dim3A_342 = vector.broadcast %jit3A_339 : f32 to vector<64x64xf32>
    %select_n3A_343 = arith.select %broadcast_in_dim3A_341, %broadcast_in_dim3A_342, %dot_general3A_335 : vector<64x64xi1>, vector<64x64xf32>
    %reduce_max3A_344 = arith.constant dense<0xFF800000> : vector<64xf32>
    %reduce_max3A_345 = vector.multi_reduction <maximumf>, %select_n3A_343, %reduce_max3A_344 [1] : vector<64x64xf32> to vector<64xf32>
    %broadcast_in_dim3A_346 = vector.shape_cast %reduce_max3A_345 : vector<64xf32> to vector<64x1xf32>
    %sub3A_347 = vector.broadcast %broadcast_in_dim3A_346 : vector<64x1xf32> to vector<64x64xf32>
    %sub3A_348 = arith.subf %select_n3A_343, %sub3A_347 : vector<64x64xf32>
    %exp3A_349 = math.exp %sub3A_348 : vector<64x64xf32>
    %reduce_sum3A_350 = arith.constant dense<0.000000e+00> : vector<64xf32>
    %reduce_sum3A_351 = vector.multi_reduction <add>, %exp3A_349, %reduce_sum3A_350 [1] : vector<64x64xf32> to vector<64xf32>
    %broadcast_in_dim3A_352 = vector.shape_cast %reduce_sum3A_351 : vector<64xf32> to vector<64x1xf32>
    %div3A_353 = vector.broadcast %broadcast_in_dim3A_352 : vector<64x1xf32> to vector<64x64xf32>
    %div3A_354 = arith.divf %exp3A_349, %div3A_353 : vector<64x64xf32>
    %dot_general3A_355 = arith.constant dense<0.000000e+00> : vector<64x128xf32>
    %dot_general3A_356 = tpu.matmul %div3A_354, %add3A_328, %dot_general3A_355 {dimension_numbers = #tpu.dot_dimension_numbers<[1], [0], [0], [1], [0, 0, 1, 1], [], []>, transpose_lhs_hint = false} : vector<64x64xf32>, vector<64x128xf32>, vector<64x128xf32> -> vector<64x128xf32>
    %slice3A_357 = vector.extract_strided_slice %dot_general3A_356 {offsets = [0, 0], sizes = [64, 100], strides = [1, 1]} : vector<64x128xf32> to vector<64x100xf32>
    %reduce_sum3A_358 = arith.constant dense<0.000000e+00> : vector<64xf32>
    %reduce_sum3A_359 = vector.multi_reduction <add>, %slice3A_357, %reduce_sum3A_358 [1] : vector<64x100xf32> to vector<64xf32>
    %broadcast_in_dim3A_360 = vector.shape_cast %reduce_sum3A_359 : vector<64xf32> to vector<64x1xf32>
    %div3A_361 = arith.constant 1.000000e+02 : f32
    %div3A_362 = vector.broadcast %div3A_361 : f32 to vector<64x1xf32>
    %div3A_363 = arith.divf %broadcast_in_dim3A_360, %div3A_362 : vector<64x1xf32>
    %sub3A_364 = vector.broadcast %div3A_363 : vector<64x1xf32> to vector<64x100xf32>
    %sub3A_365 = arith.subf %slice3A_357, %sub3A_364 : vector<64x100xf32>
    %integer_pow3A = arith.mulf %sub3A_365, %sub3A_365 : vector<64x100xf32>
    %reduce_sum3A_366 = arith.constant dense<0.000000e+00> : vector<64xf32>
    %reduce_sum3A_367 = vector.multi_reduction <add>, %integer_pow3A, %reduce_sum3A_366 [1] : vector<64x100xf32> to vector<64xf32>
    %broadcast_in_dim3A_368 = vector.shape_cast %reduce_sum3A_367 : vector<64xf32> to vector<64x1xf32>
    %div3A_369 = arith.constant 1.000000e+02 : f32
    %div3A_370 = vector.broadcast %div3A_369 : f32 to vector<64x1xf32>
    %div3A_371 = arith.divf %broadcast_in_dim3A_368, %div3A_370 : vector<64x1xf32>
    %get3A_372 = arith.constant 0 : index
    %get3A_373 = arith.constant 0 : index
    %get3A_374 = vector.load %arg11[%get3A_372, %get3A_373] : memref<1x100xf32, #tpu.memory_space<vmem>>, vector<1x100xf32>
    %sub3A_375 = vector.broadcast %div3A_363 : vector<64x1xf32> to vector<64x100xf32>
    %sub3A_376 = arith.subf %slice3A_357, %sub3A_375 : vector<64x100xf32>
    %mul3A_377 = vector.broadcast %get3A_374 : vector<1x100xf32> to vector<64x100xf32>
    %mul3A_378 = arith.mulf %mul3A_377, %sub3A_376 : vector<64x100xf32>
    %add3A_379 = arith.constant 9.99999974E-6 : f32
    %add3A_380 = vector.broadcast %add3A_379 : f32 to vector<64x1xf32>
    %add3A_381 = arith.addf %div3A_371, %add3A_380 : vector<64x1xf32>
    %rsqrt3A = math.rsqrt %add3A_381 : vector<64x1xf32>
    %mul3A_382 = vector.broadcast %rsqrt3A : vector<64x1xf32> to vector<64x100xf32>
    %mul3A_383 = arith.mulf %mul3A_378, %mul3A_382 : vector<64x100xf32>
    %get3A_384 = arith.constant 0 : index
    %get3A_385 = arith.constant 0 : index
    %get3A_386 = vector.load %arg12[%get3A_384, %get3A_385] : memref<1x100xf32, #tpu.memory_space<vmem>>, vector<1x100xf32>
    %add3A_387 = vector.broadcast %get3A_386 : vector<1x100xf32> to vector<64x100xf32>
    %add3A_388 = arith.addf %mul3A_383, %add3A_387 : vector<64x100xf32>
    %slice3A_389 = vector.extract_strided_slice %add3A_328 {offsets = [0, 0], sizes = [64, 100], strides = [1, 1]} : vector<64x128xf32> to vector<64x100xf32>
    %swap3A = arith.constant 0 : index
    %swap3A_390 = arith.constant 0 : index
    %swap3A_391 = arith.constant 0 : index
    %swap3A_392 = vector.load %arg14[%swap3A, %swap3A_390, %swap3A_391] : memref<1x64x100xf32, #tpu.memory_space<vmem>>, vector<1x64x100xf32>
    %swap3A_393 = vector.shape_cast %swap3A_392 : vector<1x64x100xf32> to vector<64x100xf32>
    %swap3A_394 = vector.shape_cast %slice3A_389 : vector<64x100xf32> to vector<1x64x100xf32>
    tpu.vector_store %arg14[%swap3A, %swap3A_390, %swap3A_391], %swap3A_394 {strides = array<i32>} : memref<1x64x100xf32, #tpu.memory_space<vmem>>, vector<1x64x100xf32>,
    %swap3A_395 = arith.constant 0 : index
    %swap3A_396 = arith.constant 0 : index
    %swap3A_397 = arith.constant 0 : index
    %swap3A_398 = vector.load %arg15[%swap3A_395, %swap3A_396, %swap3A_397] : memref<1x64x100xf32, #tpu.memory_space<vmem>>, vector<1x64x100xf32>
    %swap3A_399 = vector.shape_cast %swap3A_398 : vector<1x64x100xf32> to vector<64x100xf32>
    %swap3A_400 = vector.shape_cast %add3A_388 : vector<64x100xf32> to vector<1x64x100xf32>
    tpu.vector_store %arg15[%swap3A_395, %swap3A_396, %swap3A_397], %swap3A_400 {strides = array<i32>} : memref<1x64x100xf32, #tpu.memory_space<vmem>>, vector<1x64x100xf32>,
    return
  }
  func.func @transform_0(%arg0: i32) -> (i32, i32, i32) {
    %c0_i32 = arith.constant 0 : i32
    %c0_i32_0 = arith.constant 0 : i32
    %c0_i32_1 = arith.constant 0 : i32
    return %arg0, %c0_i32, %c0_i32_0 : i32, i32, i32
  }
  func.func @transform_1(%arg0: i32) -> (i32, i32, i32) {
    %c0_i32 = arith.constant 0 : i32
    %c0_i32_0 = arith.constant 0 : i32
    %c0_i32_1 = arith.constant 0 : i32
    return %arg0, %c0_i32, %c0_i32_0 : i32, i32, i32
  }
  func.func @transform_2(%arg0: i32) -> (i32, i32, i32, i32) {
    %c0_i32 = arith.constant 0 : i32
    %c0_i32_0 = arith.constant 0 : i32
    %c0_i32_1 = arith.constant 0 : i32
    %c0_i32_2 = arith.constant 0 : i32
    return %arg0, %c0_i32, %c0_i32_0, %c0_i32_1 : i32, i32, i32, i32
  }
  func.func @transform_3(%arg0: i32) -> (i32, i32, i32, i32) {
    %c0_i32 = arith.constant 0 : i32
    %c0_i32_0 = arith.constant 0 : i32
    %c0_i32_1 = arith.constant 0 : i32
    %c0_i32_2 = arith.constant 0 : i32
    return %arg0, %c0_i32, %c0_i32_0, %c0_i32_1 : i32, i32, i32, i32
  }
  func.func @transform_4(%arg0: i32) -> (i32, i32, i32) {
    %c0_i32 = arith.constant 0 : i32
    %c0_i32_0 = arith.constant 0 : i32
    %c0_i32_1 = arith.constant 0 : i32
    return %arg0, %c0_i32, %c0_i32_0 : i32, i32, i32
  }
  func.func @transform_5(%arg0: i32) -> (i32, i32, i32) {
    %c0_i32 = arith.constant 0 : i32
    %c0_i32_0 = arith.constant 0 : i32
    %c0_i32_1 = arith.constant 0 : i32
    return %arg0, %c0_i32, %c0_i32_0 : i32, i32, i32
  }
  func.func @transform_6(%arg0: i32) -> (i32, i32, i32) {
    %c0_i32 = arith.constant 0 : i32
    %c0_i32_0 = arith.constant 0 : i32
    %c0_i32_1 = arith.constant 0 : i32
    return %arg0, %c0_i32, %c0_i32_0 : i32, i32, i32
  }
  func.func @transform_7(%arg0: i32) -> (i32, i32, i32) {
    %c0_i32 = arith.constant 0 : i32
    %c0_i32_0 = arith.constant 0 : i32
    %c0_i32_1 = arith.constant 0 : i32
    return %arg0, %c0_i32, %c0_i32_0 : i32, i32, i32
  }
  func.func @transform_8(%arg0: i32) -> (i32, i32) {
    %c0_i32 = arith.constant 0 : i32
    %c0_i32_0 = arith.constant 0 : i32
    %c0_i32_1 = arith.constant 0 : i32
    return %c0_i32, %c0_i32_0 : i32, i32
  }
  func.func @transform_9(%arg0: i32) -> (i32, i32) {
    %c0_i32 = arith.constant 0 : i32
    %c0_i32_0 = arith.constant 0 : i32
    %c0_i32_1 = arith.constant 0 : i32
    return %c0_i32, %c0_i32_0 : i32, i32
  }
  func.func @transform_10(%arg0: i32) -> (i32, i32) {
    %c0_i32 = arith.constant 0 : i32
    %c0_i32_0 = arith.constant 0 : i32
    %c0_i32_1 = arith.constant 0 : i32
    return %c0_i32, %c0_i32_0 : i32, i32
  }
  func.func @transform_11(%arg0: i32) -> (i32, i32) {
    %c0_i32 = arith.constant 0 : i32
    %c0_i32_0 = arith.constant 0 : i32
    %c0_i32_1 = arith.constant 0 : i32
    return %c0_i32, %c0_i32_0 : i32, i32
  }
  func.func @transform_12(%arg0: i32) -> (i32, i32) {
    %c0_i32 = arith.constant 0 : i32
    %c0_i32_0 = arith.constant 0 : i32
    %c0_i32_1 = arith.constant 0 : i32
    return %c0_i32, %c0_i32_0 : i32, i32
  }
  func.func @transform_13(%arg0: i32) -> (i32, i32, i32) {
    %c0_i32 = arith.constant 0 : i32
    %c0_i32_0 = arith.constant 0 : i32
    %c0_i32_1 = arith.constant 0 : i32
    return %arg0, %c0_i32, %c0_i32_0 : i32, i32, i32
  }
  func.func @transform_14(%arg0: i32) -> (i32, i32, i32) {
    %c0_i32 = arith.constant 0 : i32
    %c0_i32_0 = arith.constant 0 : i32
    %c0_i32_1 = arith.constant 0 : i32
    return %arg0, %c0_i32, %c0_i32_0 : i32, i32, i32
  }
}

</mosaic_0001>

<sc_bundles>
// kernel: kernel.6.cloned.1.call-start
scs
__scs_entry_jumppad:
0x0: {  	(pc) =	sbr.rel $0x88, $3  }
0x1: {  	(tag) =	ssettag $0x0;
	lr =	simm.s32 $0x1  }
0x2: {  	[smem:$0x3F94] =	sst lr;
	_ =	strace $0xD0000000  }
0x3: {  	_ = 	snop  }
0x4: {  	_ = 	snop  }
0x5: {  	_ = 	snop  }
0x6: {  	_ = 	snop  }
0x7: {  	_ = 	snop  }
__scs_overlays_trampoline_lowered:
0x8: {  	[smem:$0x3FA3] =	sst s0  }
0x9: {  	[smem:$0x3FA4] =	sst s1  }
0xa: {  	[smem:$0x3FA5] =	sst s2  }
0xb: {  	[smem:$0x3FA6] =	sst s3  }
0xc: {  	[smem:$0x3FA7] =	sst s4  }
0xd: {  	[smem:$0x3FA8] =	sst s5  }
0xe: {  	[smem:$0x3FA9] =	sst s6  }
0xf: {  	[smem:$0x3FAA] =	sst s7  }
0x10: {  	[smem:$0x3FAB] =	sst s8  }
0x11: {  	[smem:$0x3FAC] =	sst s9;
	s0 =	simm.s32 @!p0 $0x0  }
0x12: {  	s1 =	sld [smem:$0x3F92];
	s0 =	simm.s32 @p0 $0x1  }
0x13: {  	[smem:$0x3FAD] =	sst s0;
	s0 =	simm.s32 @!p1 $0x0  }
0x14: {  	s2 =	sld [smem:$0x3F91];
	s0 =	simm.s32 @p1 $0x1  }
0x15: {  	[smem:$0x3FAE] =	sst s0;
	s0 =	simm.s32 @!p2 $0x0  }
0x16: {  	s3 =	sld [smem:$0x3FDB];
	s0 =	simm.s32 @p2 $0x1  }
0x17: {  	s4 =	simm.s32 $0x1BF5;
	[smem:$0x3FB0] =	sst s0  }
0x18: {  	s0 =	sld [smem:$0x3F93];
	_ =	swait.ge [sflag:s4], $0x0  }
0x19: {  	s7 =	sld [smem:$0x3F94]  }
0x1a: {  	s8 =	sadd.s32 $0xFFFFE003, lr  }
0x1b: {  	s9 =	sadd.s32 $0xFFFFFEF7, lr;
	s5 =	simm.s32 $0xFFFFFFFF;
	p2 =	slt.u32 s8, $0xFFFFF086  }
0x1c: {  	p1 =	slt.u32 s9, $0xF7A;
	s5 =	simm.s32 @!p2 $0x0  }
0x1d: {  	s5 =	simm.s32 @p1 $0x1;
	p0 =	seq.s32 s7, s2  }
0x1e: {  	s7 =	smul.u32 @!p0 $0xF7A, s2;
	p2 =	seq.s32 @!p0 s5, $0x0  }
0x1f: {  	s9 =	smul.u32 $0xF7A, s1;
	s8 =	simm.s32 @!p0 $0x1BF5;
	p2 =	por !p2, p0  }
0x20: {  	[sflag:s8] =	ssyncset.s32 @!p0 $0xFFFFF086;
	s6 =	sadd.s32 @!p0 s3, s7;
	s7 =	simm.s32 @!p0 $0x108  }
0x21: {  	s3 =	sadd.s32 s3, s9;
	s6 =	sadd.s32 @!p0 $0x88, s6;
	s7 =	simm.s32 @p2 $0x1082  }
0x22: {  	[simem:s7], [sflag:s8] =	dma.local @!p0 [hbm:s6], $0xF7A  }
0x23: {  	s9 =	sor.u32 $0xD0000000, s2;
	s6 =	simm.s32 $0x108;
	_ =	swait.ge @!p0 [sflag:s8], $0x0  }
0x24: {  	s3 =	sadd.s32 $0x88, s3;
	s6 =	simm.s32 @!p1 $0x1082;
	[sflag:s4] =	ssyncset.s32 $0xFFFFF086  }
0x25: {  	[simem:s6], [sflag:s4] =	dma.local [hbm:s3], $0xF7A  }
0x26: {  	[smem:$0x3F94] =	sst s1;
	(tag) =	ssettag s2;
	_ =	strace s9  }
0x27: {  	s1 =	sld [smem:$0x3FA4]  }
0x28: {  	s2 =	sld [smem:$0x3FA5]  }
0x29: {  	s4 =	sld [smem:$0x3FA7]  }
0x2a: {  	p0 =	seq.s32 s5, $0x0;
	s5 =	sld [smem:$0x3FA8]  }
0x2b: {  	s6 =	sld [smem:$0x3FA9]  }
0x2c: {  	s7 =	sld [smem:$0x3FAA]  }
0x2d: {  	s3 =	simm.s32 $0x108;
	s8 =	sld [smem:$0x3FAB]  }
0x2e: {  	s3 =	simm.s32 @!p0 $0x1082;
	s9 =	sld [smem:$0x3FAC]  }
0x2f: {  	lr =	sadd.s32 s0, s3;
	s0 =	sld [smem:$0x3FA3]  }
0x30: {  	s3 =	sld [smem:$0x3FA6]  }
0x31: {  	[smem:$0x3FAF] =	sst s10  }
0x32: {  	s10 =	sld [smem:$0x3FAD];
	_ =	sdelay $0x3  }
0x33: {  	p0 =	seq.s32 s10, $0x1;
	s10 =	sld [smem:$0x3FAF];
	_ =	sdelay $0x3  }
0x34: {  	[smem:$0x3FAF] =	sst s10  }
0x35: {  	s10 =	sld [smem:$0x3FAE];
	_ =	sdelay $0x3  }
0x36: {  	p1 =	seq.s32 s10, $0x1;
	s10 =	sld [smem:$0x3FAF];
	_ =	sdelay $0x3  }
0x37: {  	[smem:$0x3FAF] =	sst s10  }
0x38: {  	s10 =	sld [smem:$0x3FB0]  }
0x39: {  	_ = 	snop;
	(pc) =	sbr.ind lr, $3  }
0x3a: {  	_ = 	snop  }
0x3b: {  	_ = 	snop  }
0x3c: {  	p2 =	seq.s32 s10, $0x1;
	s10 =	sld [smem:$0x3FAF]  }
0x3d: {  	_ =	shalt  }
0x3e: {  	_ =	shalt  }
0x3f: {  	_ =	shalt  }
0x40: {  	_ =	shalt  }
0x41: {  	_ =	shalt  }
0x42: {  	_ =	shalt  }
0x43: {  	_ =	shalt  }
0x44: {  	_ =	shalt  }
0x45: {  	_ =	shalt  }
0x46: {  	_ =	shalt  }
0x47: {  	_ =	shalt  }
0x48: {  	_ =	shalt  }
0x49: {  	_ =	shalt  }
0x4a: {  	_ =	shalt  }
0x4b: {  	_ =	shalt  }
0x4c: {  	_ =	shalt  }
0x4d: {  	_ =	shalt  }
0x4e: {  	_ =	shalt  }
0x4f: {  	_ =	shalt  }
0x50: {  	_ =	shalt  }
0x51: {  	_ =	shalt  }
0x52: {  	_ =	shalt  }
0x53: {  	_ =	shalt  }
0x54: {  	_ =	shalt  }
0x55: {  	_ =	shalt  }
0x56: {  	_ =	shalt  }
0x57: {  	_ =	shalt  }
0x58: {  	_ =	shalt  }
0x59: {  	_ =	shalt  }
0x5a: {  	_ =	shalt  }
0x5b: {  	_ =	shalt  }
0x5c: {  	_ =	shalt  }
0x5d: {  	_ =	shalt  }
0x5e: {  	_ =	shalt  }
0x5f: {  	_ =	shalt  }
0x60: {  	_ =	shalt  }
0x61: {  	_ =	shalt  }
0x62: {  	_ =	shalt  }
0x63: {  	_ =	shalt  }
0x64: {  	_ =	shalt  }
0x65: {  	_ =	shalt  }
0x66: {  	_ =	shalt  }
0x67: {  	_ =	shalt  }
0x68: {  	_ =	shalt  }
0x69: {  	_ =	shalt  }
0x6a: {  	_ =	shalt  }
0x6b: {  	_ =	shalt  }
0x6c: {  	_ =	shalt  }
0x6d: {  	_ =	shalt  }
0x6e: {  	_ =	shalt  }
0x6f: {  	_ =	shalt  }
0x70: {  	_ =	shalt  }
0x71: {  	_ =	shalt  }
0x72: {  	_ =	shalt  }
0x73: {  	_ =	shalt  }
0x74: {  	_ =	shalt  }
0x75: {  	_ =	shalt  }
0x76: {  	_ =	shalt  }
0x77: {  	_ =	shalt  }
0x78: {  	_ =	shalt  }
0x79: {  	_ =	shalt  }
0x7a: {  	_ =	shalt  }
0x7b: {  	_ =	shalt  }
0x7c: {  	_ =	shalt  }
0x7d: {  	_ =	shalt  }
0x7e: {  	_ =	shalt  }
0x7f: {  	_ =	shalt  }
0x80: {  	_ =	shalt  }
0x81: {  	_ =	shalt  }
0x82: {  	_ =	shalt  }
0x83: {  	_ =	shalt  }
0x84: {  	_ =	shalt  }
0x85: {  	_ =	shalt  }
0x86: {  	_ =	shalt  }
0x87: {  	_ =	shalt  }
.Lfunc_end0:
.L_simem_size_0:
called_computation_lowered:
.L_overlay_start_0:
0x88: {  	s2 =	sld [smem:$0x3FD9]  }
0x89: {  	s3 =	sld [smem:$0x3FFE];
	_ =	sdelay $0x1  }
0x8a: {  	s1 =	srdreg.scid  }
0x8b: {  	s0 =	sand.u32 $0x1, s1  }
0x8c: {  	s16 =	sshll.u32 s0, $0xA;
	s2 =	sadd.s32 s3, s2  }
0x8d: {  	s2 =	sadd.s32 s2, s16  }
0x8e: {  	[smem:$0x3FBB] =	sst s2  }
0x8f: {  	_ = 	snop  }
0x90: {  	(tm) =	ssettm $0x1  }
0x91: {  	s17 =	sld [smem:$0x3FFB];
	_ =	sdelay $0x3  }
0x92: {  	_ =	strace s17  }
0x93: {  	s2 =	sld [smem:$0x3FFC];
	_ =	sdelay $0x3  }
0x94: {  	_ =	strace s2  }
0x95: {  	s2 =	sld [smem:$0x3FFD];
	_ =	sdelay $0x3  }
0x96: {  	_ =	strace s2  }
0x97: {  	_ =	strace $0x8FFFFFFF  }
0x98: {  	s18 =	sld [smem:$0x3FDB];
	_ =	sdelay $0x1  }
0x99: {  	s19 =	simm.s32 $_scs_section_size  }
0x9a: {  	s4 =	simm.s32 $_size__tile_overlayer_lowered;
	s5 =	simm.s32 $_tile_overlayer_lowered  }
0x9b: {  	s22 =	simm.s32 $0x1BFF;
	s21 =	sshll.u32 s5, $0x1;
	s2 =	sadd.s32 s19, s18  }
0x9c: {  	s6 =	simm.s32 $0x0;
	s20 =	sshll.u32 s4, $0x1;
	s4 =	sadd.s32 s21, s2  }
0x9d: {  	[timem:s6], [sflag:s22] =	dma.local [hbm:s4], s20  }
0x9e: {  	_ =	swait.ge [sflag:s22], s20  }
0x9f: {  	s3 =	ssub.s32 $0x0, s20;
	[sflag:s22] =	ssyncset.done $0x0  }
0xa0: {  	[sflag:s22] =	ssyncadd.s32 s3;
	_ =	sdelay $0x1  }
0xa1: {  	s23 =	simm.s32 $0x1B8B  }
0xa2: {  	_ =	swait.ge [sflag:s23], $0x1  }
0xa3: {  	[sflag:s23] =	ssyncset.done $0x0  }
0xa4: {  	s25 =	simm.s32 $0x1B8E;
	s24 =	sld [smem:$0x3FFE];
	[sflag:s23] =	ssyncadd.s32 $0xFFFFFFFF  }
0xa5: {  	s26 =	simm.s32 $execute0_lowered;
	[smem:$0x3FD2] =	sst s25  }
0xa6: {  	s4 =	sshll.u32 s26, $0x1;
	_ =	strace $0x80000046;
	[dreg:$0x1] =	wrdreg $0xFFFFFFFF  }
0xa7: {  	s28 =	simm.s32 $_size_execute0_lowered;
	s2 =	sadd.s32 s2, s4;
	[dreg:$0x0] =	wrdreg $0x0  }
0xa8: {  	s4 =	sshll.u32 s28, $0x1;
	[dreg:$0x2] =	wrdreg s2  }
0xa9: {  	[dreg:$0x3] =	wrdreg s4  }
0xaa: {  	[dreg:$0x4] =	wrdreg $0xC0  }
0xab: {  	_ =	task [dreg:s6], $0x5FFFF  }
0xac: {  	[dreg:$0x1] =	wrdreg $0xFFFFFFFF  }
0xad: {  	[dreg:$0x0] =	wrdreg $0x60  }
0xae: {  	[dreg:$0x2] =	wrdreg s24  }
0xaf: {  	[dreg:$0x3] =	wrdreg $0x9  }
0xb0: {  	_ =	task.clear_ibuf [dreg:s6], $0x4FFFF;
	_ =	strace $0x90000046  }
0xb1: {  	s29 =	simm.s32 $0x9;
	_ =	strace $0x80000048  }
0xb2: {  	_ =	swait.ge [sflag:s29], $0x1  }
0xb3: {  	[sflag:s29] =	ssyncadd.s32 $0xFFFFFFFF  }
0xb4: {  	_ =	strace $0x90000048  }
0xb5: {  	_ =	sfence  }
0xb6: {  	s30 =	sld [smem:$0x0];
	_ =	sdelay $0x2  }
0xb7: {  	s31 =	sshll.u32 s1, $0xD;
	s1 =	sshrl.u32 s1, $0x2  }
0xb8: {  	s3 =	sand.u32 $0x4000, s31;
	s1 =	sadd.s32 s1, s30  }
0xb9: {  	s0 =	sor.u32 s3, s0;
	s1 =	sshll.u32 s1, $0x11  }
0xba: {  	s0 =	sor.u32 s1, s0  }
0xbb: {  	s0 =	sadd.s32 $0x8F2B, s0  }
0xbc: {  	[sflag:s0] =	ssyncadd.remote.s32 $0x1  }
0xbd: {  	_ =	sfence.sel $0xFFFF  }
0xbe: {  	[dreg:$0x0] =	wrdreg $0xFFFFFFFF;
	(pc) =	sbr.abs _section_cstart, $3  }
0xbf: {  	[dreg:$0x1] =	wrdreg $0xFFFFFFFF  }
0xc0: {  	_ =	task.clear_ibuf [dreg:s6], $0x2FFFF;
	_ =	strace $0x9FFFFFFF  }
0xc1: {  	(tm) =	ssettm $0x7FFFFFFF  }
tec
execute0_lowered:
.L_overlay_start_1:
0x0: {  	(tag) =	ssettag $0x1  }
0x1: {  	s5 =	rddreg [dreg:$0x0]  }
0x2: {  	s0 =	rddreg [dreg:$0x1];
	s3 =	srdreg.scid  }
0x3: {  	s2 =	simm.s32 $0x0;
	s1 =	stileid.u32;
	s15 =	simm.s32 $0x2000  }
0x4: {  	s16 =	simm.s32 $0x1;
	s17 =	simm.s32 $0x6000;
	s18 =	simm.s32 $0x2  }
0x5: {  	s19 =	simm.s32 $0x0;
	s8 =	sand.u32 $0x1, s3;
	[smem:$0x7FF] =	sst s2  }
0x6: {  	s4 =	sshll.u32 s1, $0xD;
	s3 =	sadd.s32 $0xAE00, s5;
	s10 =	sadd.s32 $0xA7200, s5  }
0x7: {  	s12 =	sadd.s32 $0x896600, s5;
	s13 =	sshll.u32 s1, $0x11;
	s6 =	sshll.u32 s8, $0xC  }
0x8: {  	_ =	strace $0x80000047;
	s9 =	ssub.s32 $0x2, s8;
	s14 =	sshll.u32 s8, $0x10  }
0x9: {  	s31 =	sadd.s32 s13, s12;
	s7 =	sor.u32 s6, s4;
	s11 =	sshrl.u32 s9, $0x1  }
0xa: {  	s4 =	sadd.s32 $0x450A00, s5;
	s6 =	sshrl.u32 s7, $0x3;
	s9 =	ssub.s32 s9, s11  }
0xb: {  	s30 =	sshll.u32 s7, $0x4;
	s11 =	sadd.s32 s14, s31;
	s6 =	sadd.s32 s6, s5  }
0xc: {  	s7 =	sadd.s32 s10, s30;
	s10 =	sadd.s32 s13, s10;
	s8 =	sadd.s32 s12, s30  }
0xd: {  	s9 =	smax.u32 s9, $0x1;
	s11 =	sadd.s32 $0x800, s11;
	s12 =	simm.s32 $0x3  }
0xe: {  	s13 =	simm.s32 $0x1000;
	s5 =	sadd.s32 $0x2E00, s6;
	s10 =	sadd.s32 s14, s10  }
0xf: {  	s6 =	sadd.s32 $0x6E00, s6;
	s14 =	simm.s32 $0x80;
	s10 =	sadd.s32 $0x800, s10  }
.LBB2_1:
0x10: {  	[tilespmem:s2], [sflag:$0x3] =	stream.linear.gather [hbm4b:s5+s2], $0x1000, $0x38;
	[tilespmem:$0xA000] =	vst v63  }
0x11: {  	_ =	swait.ge [sflag:s12], $0x1000  }
0x12: {  	[sflag:s12] =	ssyncset.done $0x0  }
0x13: {  	[sflag:s12] =	ssyncadd.s32 $0xFFFFF000  }
0x14: {  	[tilespmem:s13], [sflag:$0x3] =	stream.linear.gather [hbm4b:s6+s2], $0x1000, $0x38;
	[tilespmem:$0xA000] =	vst v63  }
0x15: {  	_ =	swait.ge [sflag:s12], $0x1000  }
0x16: {  	[sflag:s12] =	ssyncset.done $0x0  }
0x17: {  	[sflag:s12] =	ssyncadd.s32 $0xFFFFF000  }
0x18: {  	[tilespmem:s15], [sflag:$0x1] =	stream.indirect.gather [hbm4b:s3+s14], $0x80, s2, s14, $0xb8;
	[tilespmem:$0xA000] =	vst v63  }
0x19: {  	_ =	swait.ge [sflag:s16], $0x4000  }
0x1a: {  	[sflag:s16] =	ssyncset.done $0x0  }
0x1b: {  	[sflag:s16] =	ssyncadd.s32 $0xFFFFC000  }
0x1c: {  	[hbm4b:s7+s2] =	stream.linear.scatter [tilespmem:s15], [sflag:$0x2], $0x4000, $0x38;
	[tilespmem:$0xA000] =	vst v63  }
0x1d: {  	_ = 	snop  }
0x1e: {  	[tilespmem:s17], [sflag:$0x1] =	stream.indirect.gather [hbm4b:s4+s14], $0x80, s13, s14, $0xb8;
	[tilespmem:$0xA000] =	vst v63  }
0x1f: {  	_ =	swait.ge [sflag:s16], $0x4000  }
0x20: {  	[sflag:s16] =	ssyncset.done $0x0  }
0x21: {  	[sflag:s16] =	ssyncadd.s32 $0xFFFFC000  }
0x22: {  	[hbm4b:s8+s2] =	stream.linear.scatter [tilespmem:s17], [sflag:$0x2], $0x4000, $0x38;
	[tilespmem:$0xA000] =	vst v63  }
0x23: {  	_ =	swait.ge [sflag:s18], $0x4000  }
0x24: {  	[sflag:s18] =	ssyncset.done $0x0  }
0x25: {  	s20 =	simm.s32 $0x80;
	[sflag:s18] =	ssyncadd.s32 $0xFFFFC000  }
0x26: {  	[tilespmem:s15], [sflag:$0x1] =	stream.indirect.gather [hbm4b:s3+s14], $0x80, s20, s14, $0xb8;
	[tilespmem:$0xA000] =	vst v63  }
0x27: {  	_ =	swait.ge [sflag:s16], $0x4000  }
0x28: {  	[sflag:s16] =	ssyncset.done $0x0  }
0x29: {  	[sflag:s16] =	ssyncadd.s32 $0xFFFFC000  }
0x2a: {  	[hbm4b:s10+s2] =	stream.linear.scatter [tilespmem:s15], [sflag:$0x2], $0x4000, $0x38;
	[tilespmem:$0xA000] =	vst v63  }
0x2b: {  	_ =	swait.ge [sflag:s18], $0x4000  }
0x2c: {  	[sflag:s18] =	ssyncset.done $0x0  }
0x2d: {  	s31 =	simm.s32 $0x1080;
	[sflag:s18] =	ssyncadd.s32 $0xFFFFC000  }
0x2e: {  	[tilespmem:s17], [sflag:$0x1] =	stream.indirect.gather [hbm4b:s4+s14], $0x80, s31, s14, $0xb8;
	[tilespmem:$0xA000] =	vst v63  }
0x2f: {  	_ =	swait.ge [sflag:s16], $0x4000  }
0x30: {  	s21 =	sadd.s32 $0x800, s10;
	s22 =	sadd.s32 $0x800, s11;
	[sflag:s16] =	ssyncset.done $0x0  }
0x31: {  	s23 =	smov.u32 s11;
	s20 =	simm.s32 $0x200;
	[sflag:s16] =	ssyncadd.s32 $0xFFFFC000  }
.LBB2_2:
0x32: {  	[hbm4b:s23+s2] =	stream.linear.scatter [tilespmem:s17], [sflag:$0x2], $0x4000, $0x38;
	[tilespmem:$0xA000] =	vst v63  }
0x33: {  	s24 =	smov.u32 s20;
	s23 =	smov.u32 s22  }
0x34: {  	p0 =	sne.s32 s20, $0x3C00;
	s20 =	sadd.s32 $0x200, s20;
	_ =	swait.ge [sflag:s18], $0x4000  }
0x35: {  	s24 =	sshra.s32 s24, $0x2;
	[sflag:s18] =	ssyncset.done $0x0  }
0x36: {  	s25 =	sadd.s32 $0x80, s24;
	[sflag:s18] =	ssyncadd.s32 $0xFFFFC000  }
0x37: {  	[tilespmem:s15], [sflag:$0x1] =	stream.indirect.gather [hbm4b:s3+s14], $0x80, s25, s14, $0xb8;
	[tilespmem:$0xA000] =	vst v63  }
0x38: {  	_ =	swait.ge [sflag:s16], $0x4000  }
0x39: {  	[sflag:s16] =	ssyncset.done $0x0  }
0x3a: {  	[sflag:s16] =	ssyncadd.s32 $0xFFFFC000  }
0x3b: {  	[hbm4b:s21+s2] =	stream.linear.scatter [tilespmem:s15], [sflag:$0x2], $0x4000, $0x38;
	[tilespmem:$0xA000] =	vst v63  }
0x3c: {  	_ =	swait.ge [sflag:s18], $0x4000  }
0x3d: {  	[sflag:s18] =	ssyncset.done $0x0  }
.Ltmp0:
0x3e: {  	s24 =	sadd.s32 $0x1080, s24;
	[sflag:s18] =	ssyncadd.s32 $0xFFFFC000;
	(pc) =	sbr.rel @p0 .LBB2_2-.Ltmp0, $4  }
0x3f: {  	[tilespmem:s17], [sflag:$0x1] =	stream.indirect.gather [hbm4b:s4+s14], $0x80, s24, s14, $0xb8;
	[tilespmem:$0xA000] =	vst v63  }
0x40: {  	_ =	swait.ge [sflag:s16], $0x4000  }
0x41: {  	[sflag:s16] =	ssyncset.done $0x0  }
0x42: {  	s22 =	sadd.s32 $0x800, s22;
	s21 =	sadd.s32 $0x800, s21;
	[sflag:s16] =	ssyncadd.s32 $0xFFFFC000  }
0x43: {  	[hbm4b:s23+s2] =	stream.linear.scatter [tilespmem:s17], [sflag:$0x2], $0x4000, $0x38;
	[tilespmem:$0xA000] =	vst v63  }
0x44: {  	s19 =	sadd.s32 $0x1, s19  }
0x45: {  	_ =	swait.ge [sflag:s18], $0x4000;
	p0 =	sne.s32 s19, s9  }
.Ltmp1:
0x46: {  	[sflag:s18] =	ssyncset.done $0x0;
	(pc) =	sbr.rel @p0 .LBB2_1-.Ltmp1, $4  }
0x47: {  	[sflag:s18] =	ssyncadd.s32 $0xFFFFC000  }
0x48: {  	_ =	swait.ge [sflag:s18], $0x4000  }
0x49: {  	[sflag:s18] =	ssyncset.done $0x0  }
0x4a: {  	[sflag:s18] =	ssyncadd.s32 $0xFFFFC000  }
0x4b: {  	_ =	sfence.sel $0x180000  }
0x4c: {  	[bflag:$0x0] =	sbarrier.arrive $0xFFFF  }
0x4d: {  	p0 =	sne.s32 s1, $0x0;
	_ =	strace $0x90000047  }
0x4e: {  	s0 =	sadd.s32 @!p0 $0x100000, s0;
	[bflag:$0x2] =	sbarrier.arrive $0xFFFF  }
0x4f: {  	[sflag:s0] =	ssyncadd.tile.s32 @!p0 $0x1;
	_ =	shalt  }
.Lfunc_end2:
_tile_overlayer_lowered:
.L_overlay_start_2:
0x50: {  	(tag) =	ssettag $0x2  }
0x51: {  	s0 =	rddreg [dreg:$0x0];
	s2 =	stileid.u32  }
0x52: {  	s1 =	rddreg [dreg:$0x1];
	p0 =	sne.s32 s2, $0x0  }
0x53: {  	s3 =	rddreg [dreg:$0x2];
	[bflag:$0x3] =	sbarrier.arrive $0xFFFF;
	s2 =	simm.s32 @!p0 $0x1C03  }
0x54: {  	[timem:s3], [sflag:s2] =	dma.local @!p0 [hbm:s0], s1  }
0x55: {  	s0 =	simm.s32 @!p0 $0x3  }
0x56: {  	_ =	swait.ge @!p0 [sflag:s0], s1  }
0x57: {  	s1 =	ssub.s32 @!p0 $0x0, s1;
	[sflag:s0] =	ssyncset.done @!p0 $0x0  }
0x58: {  	[sflag:s0] =	ssyncadd.s32 @!p0 s1  }
0x59: {  	[bflag:$0x3] =	sbarrier.arrive $0xFFFF  }
0x5a: {  	_ =	shalt  }

</sc_bundles>
